<compile_context>
chip_gen: v7x
topology: tpu7x:2x2x1
jax: 0.10.2.dev20260603
libtpu: 0.0.44.dev20260713+nightly
codegen_flags: <defaults>
</compile_context>

<pallas_src>
import functools

import jax
import jax.numpy as jnp
from jax import lax
from jax.experimental import pallas as pl
from jax.experimental.pallas import tpu as pltpu
from jax.experimental.pallas import tpu_sc as plsc

_N = 4194304
_N2 = 2 * _N
_NB = _N // 128
_BLK = 256

_NB_SC = 12288
_NB_TC = _NB - _NB_SC

_NW = 32
_PW = _NB_SC * _BLK // _NW
_CH = 16384
_NCHUNK = _PW // _CH
_SC_BASE = _NB_TC * _BLK

_GR = 8192


def _sc_partials(pred_flat, true_flat):
    mesh = plsc.VectorSubcoreMesh(core_axis_name="c", subcore_axis_name="s")

    @functools.partial(
        pl.kernel,
        mesh=mesh,
        out_type=jax.ShapeDtypeStruct((_NW, 16), jnp.float32),
        scratch_types=[
            pltpu.VMEM((_CH,), jnp.float32),
            pltpu.VMEM((_CH,), jnp.float32),
            pltpu.VMEM((_CH,), jnp.float32),
            pltpu.VMEM((_CH,), jnp.float32),
            pltpu.VMEM((16,), jnp.float32),
            pltpu.SemaphoreType.DMA,
            pltpu.SemaphoreType.DMA,
        ],
    )
    def k(pred_hbm, true_hbm, out_hbm, pb0, tb0, pb1, tb1, obuf, sem0, sem1):
        cid = lax.axis_index("c")
        sid = lax.axis_index("s")
        wid = sid * 2 + cid
        base = _SC_BASE + wid * _PW

        def start(ci, pb, tb, sem):
            off = base + ci * _CH
            pltpu.async_copy(pred_hbm.at[pl.ds(off, _CH)], pb, sem)
            pltpu.async_copy(true_hbm.at[pl.ds(off, _CH)], tb, sem)

        def drain(pb, tb, sem):
            pltpu.make_async_copy(pred_hbm.at[pl.ds(0, _CH)], pb, sem).wait()
            pltpu.make_async_copy(true_hbm.at[pl.ds(0, _CH)], tb, sem).wait()

        def compute(pb, tb, accs):
            def blk_body(g, a):
                o = g * _BLK
                a0, a1 = a
                for v in range(0, 128, 16):
                    p0 = pb[pl.ds(o + v, 16)]
                    t0 = tb[pl.ds(o + v, 16)]
                    p1 = pb[pl.ds(o + 128 + v, 16)]
                    t1 = tb[pl.ds(o + 128 + v, 16)]
                    d0 = jnp.where(t1 == 0.0, 0.5 * p0 - 1.5 * t0, p0 - t0)
                    d1 = p1 - t1
                    a0 = a0 + d0 * d0
                    a1 = a1 + d1 * d1
                return (a0, a1)

            return lax.fori_loop(0, _CH // _BLK, blk_body, accs)

        nstep = _NCHUNK // 2
        start(0, pb0, tb0, sem0)
        start(1, pb1, tb1, sem1)

        def step(s, accs):
            drain(pb0, tb0, sem0)
            accs = compute(pb0, tb0, accs)

            @pl.when(s < nstep - 1)
            def _():
                start(2 * s + 2, pb0, tb0, sem0)

            drain(pb1, tb1, sem1)
            accs = compute(pb1, tb1, accs)

            @pl.when(s < nstep - 1)
            def _():
                start(2 * s + 3, pb1, tb1, sem1)

            return accs

        zero = jnp.zeros((16,), jnp.float32)
        acc0, acc1 = lax.fori_loop(0, nstep, step, (zero, zero))
        obuf[...] = acc0 + acc1
        pltpu.sync_copy(obuf, out_hbm.at[wid])

    return k(pred_flat, true_flat)


def _tc_body(p_ref, t_ref, out_ref, acc_ref):
    i = pl.program_id(0)

    @pl.when(i == 0)
    def _():
        acc_ref[...] = jnp.zeros_like(acc_ref)

    p = p_ref[...]
    t = t_ref[...]
    t_nbr = jnp.roll(t, -1, axis=0)
    row = lax.broadcasted_iota(jnp.int32, (_GR, 128), 0)
    invisible = ((row & 1) == 0) & (t_nbr == 0.0)
    d = jnp.where(invisible, 0.5 * p - 1.5 * t, p - t)
    s = d * d
    acc_ref[...] += jnp.sum(s.reshape(_GR // 8, 8, 128), axis=0)

    @pl.when(i == 2 * _NB_TC // _GR - 1)
    def _():
        out_ref[0, 0] = jnp.sum(acc_ref[...])


def _tc_partial(pred2, true2):
    return pl.pallas_call(
        _tc_body,
        grid=(2 * _NB_TC // _GR,),
        in_specs=[
            pl.BlockSpec((_GR, 128), lambda i: (i, 0)),
            pl.BlockSpec((_GR, 128), lambda i: (i, 0)),
        ],
        out_specs=pl.BlockSpec(memory_space=pltpu.SMEM),
        out_shape=jax.ShapeDtypeStruct((1, 1), jnp.float32),
        scratch_shapes=[pltpu.VMEM((8, 128), jnp.float32)],
    )(pred2, true2)


def _native3(x):
    return x.reshape(_NB, 128, 2).transpose(0, 2, 1)


def kernel(pred, true):
    pred3 = _native3(pred)
    true3 = _native3(true)
    sc = _sc_partials(pred3.reshape(-1), true3.reshape(-1))
    tc = _tc_partial(pred3.reshape(2 * _NB, 128), true3.reshape(2 * _NB, 128))
    return (jnp.sum(sc) + tc[0, 0]) / jnp.float32(_N2)

# --- scband reference (transcript-rebuilt; emitter-appended) ---
"""Pipeline reference for scband-visible-mse-loss-21741124452420 (READ-ONLY COPY).

The authoritative reference and input builder live on the scoring server;
editing this copy changes nothing except your own understanding.
"""

import jax, jax.numpy as jnp
import numpy as np

N = 4194304
C = 2

def setup_inputs(seed: int = 0) -> dict:
    key = jax.random.key(seed)
    k1, k2 = jax.random.split(key)
    pred = jax.random.normal(k1, (N, C), dtype=jnp.float32)
    true = jax.random.randint(k2, (N, C), 0, 3).astype(jnp.float32)
    return {"pred": pred, "true": true}

def reference(pred, true):
    # torch: invisible_idx = where(true[:,1] == 0); pred[invisible_idx, 0] = 0.5*(pred[inv,0]-true[inv,0])
    invisible = true[:, 1] == 0
    col0 = jnp.where(invisible, 0.5 * (pred[:, 0] - true[:, 0]), pred[:, 0])
    pred_mod = pred.at[:, 0].set(col0)
    return jnp.mean((pred_mod - true) ** 2)

if __name__ == "__main__":
    import jax
    _d = setup_inputs()
    print(jax.jit(kernel)(*tuple(_d.values())))

</pallas_src>

<mosaic_0001>
#map = affine_map<(d0, d1) -> (0)>
#map1 = affine_map<(d0, d1) -> (0, 0)>
module attributes {stable_mosaic.version = 14 : i64} {
  func.func @k(%arg0: i32, %arg1: i32, %arg2: memref<8388608xf32, #tpu.memory_space<hbm>>, %arg3: memref<8388608xf32, #tpu.memory_space<hbm>>, %arg4: memref<32x16xf32, #tpu.memory_space<hbm>>, %arg5: memref<16384xf32, #tpu.memory_space<vmem>>, %arg6: memref<16384xf32, #tpu.memory_space<vmem>>, %arg7: memref<16384xf32, #tpu.memory_space<vmem>>, %arg8: memref<16384xf32, #tpu.memory_space<vmem>>, %arg9: memref<16xf32, #tpu.memory_space<vmem>>, %arg10: memref<!tpu.dma_semaphore, #tpu.memory_space<semaphore_mem>>, %arg11: memref<!tpu.dma_semaphore, #tpu.memory_space<semaphore_mem>>) attributes {dimension_semantics = [#tpu.dimension_semantics<core_parallel>, #tpu.dimension_semantics<subcore_parallel>], iteration_bounds = array<i64: 2, 16>, scalar_prefetch = 0 : i64, scratch_operands = 7 : i64, tpu.core_type = #tpu.core_type<sc_vector_subcore>, window_params = [{transform_indices = #map}, {transform_indices = #map}, {transform_indices = #map1}]} {
    %mul3A = arith.constant 2 : i32
    %mul3A_0 = arith.muli %arg1, %mul3A : i32
    %add3A = arith.addi %mul3A_0, %arg0 : i32
    %mul3A_1 = arith.constant 98304 : i32
    %mul3A_2 = arith.muli %add3A, %mul3A_1 : i32
    %add3A_3 = arith.constant 5242880 : i32
    %add3A_4 = arith.addi %add3A_3, %mul3A_2 : i32
    %add3A_5 = arith.constant 0 : i32
    %add3A_6 = arith.addi %add3A_4, %add3A_5 : i32
    %dma_start3A = tpu.memref_slice %arg2[%add3A_6] : memref<8388608xf32, #tpu.memory_space<hbm>> -> memref<16384xf32, #tpu.memory_space<hbm>>
    %dma_start3A_7 = tpu.memref_slice %arg2[%add3A_6] : memref<8388608xf32, #tpu.memory_space<hbm>> -> memref<16384xf32, #tpu.memory_space<hbm>>
    tpu.enqueue_dma source(%dma_start3A_7 : memref<16384xf32, #tpu.memory_space<hbm>>) target(%arg5 : memref<16384xf32, #tpu.memory_space<vmem>>) target_semaphore(%arg10 : memref<!tpu.dma_semaphore, #tpu.memory_space<semaphore_mem>>)
    %dma_start3A_8 = tpu.memref_slice %arg3[%add3A_6] : memref<8388608xf32, #tpu.memory_space<hbm>> -> memref<16384xf32, #tpu.memory_space<hbm>>
    %dma_start3A_9 = tpu.memref_slice %arg3[%add3A_6] : memref<8388608xf32, #tpu.memory_space<hbm>> -> memref<16384xf32, #tpu.memory_space<hbm>>
    tpu.enqueue_dma source(%dma_start3A_9 : memref<16384xf32, #tpu.memory_space<hbm>>) target(%arg6 : memref<16384xf32, #tpu.memory_space<vmem>>) target_semaphore(%arg10 : memref<!tpu.dma_semaphore, #tpu.memory_space<semaphore_mem>>)
    %add3A_10 = arith.constant 16384 : i32
    %add3A_11 = arith.addi %add3A_4, %add3A_10 : i32
    %dma_start3A_12 = tpu.memref_slice %arg2[%add3A_11] : memref<8388608xf32, #tpu.memory_space<hbm>> -> memref<16384xf32, #tpu.memory_space<hbm>>
    %dma_start3A_13 = tpu.memref_slice %arg2[%add3A_11] : memref<8388608xf32, #tpu.memory_space<hbm>> -> memref<16384xf32, #tpu.memory_space<hbm>>
    tpu.enqueue_dma source(%dma_start3A_13 : memref<16384xf32, #tpu.memory_space<hbm>>) target(%arg7 : memref<16384xf32, #tpu.memory_space<vmem>>) target_semaphore(%arg11 : memref<!tpu.dma_semaphore, #tpu.memory_space<semaphore_mem>>)
    %dma_start3A_14 = tpu.memref_slice %arg3[%add3A_11] : memref<8388608xf32, #tpu.memory_space<hbm>> -> memref<16384xf32, #tpu.memory_space<hbm>>
    %dma_start3A_15 = tpu.memref_slice %arg3[%add3A_11] : memref<8388608xf32, #tpu.memory_space<hbm>> -> memref<16384xf32, #tpu.memory_space<hbm>>
    tpu.enqueue_dma source(%dma_start3A_15 : memref<16384xf32, #tpu.memory_space<hbm>>) target(%arg8 : memref<16384xf32, #tpu.memory_space<vmem>>) target_semaphore(%arg11 : memref<!tpu.dma_semaphore, #tpu.memory_space<semaphore_mem>>)
    %broadcast_in_dim3A = arith.constant 0.000000e+00 : f32
    %broadcast_in_dim3A_16 = vector.broadcast %broadcast_in_dim3A : f32 to vector<16xf32>
    %scan3A = arith.constant 0 : i32
    %scan3A_17 = arith.constant 3 : i32
    %scan3A_18 = arith.addi %scan3A, %scan3A_17 : i32
    %scan3A_19 = arith.constant 1 : i32
    %scan3A_20:2 = scf.for %scan3A_26 = %scan3A to %scan3A_18 step %scan3A_19 iter_args(%scan3A_27 = %broadcast_in_dim3A_16, %scan3A_28 = %broadcast_in_dim3A_16) -> (vector<16xf32>, vector<16xf32>)  : i32 {
      %dma_wait3A = arith.constant 0 : i32
      %dma_wait3A_29 = tpu.memref_slice %arg2[%dma_wait3A] : memref<8388608xf32, #tpu.memory_space<hbm>> -> memref<16384xf32, #tpu.memory_space<hbm>>
      %dma_wait3A_30 = arith.constant 0 : i32
      %dma_wait3A_31 = tpu.memref_slice %arg2[%dma_wait3A_30] : memref<8388608xf32, #tpu.memory_space<hbm>> -> memref<16384xf32, #tpu.memory_space<hbm>>
      tpu.wait_dma2 semaphore(%arg10 : memref<!tpu.dma_semaphore, #tpu.memory_space<semaphore_mem>>) src(%dma_wait3A_31 : memref<16384xf32, #tpu.memory_space<hbm>>) dst(%arg5 : memref<16384xf32, #tpu.memory_space<vmem>>)
      %dma_wait3A_32 = arith.constant 0 : i32
      %dma_wait3A_33 = tpu.memref_slice %arg3[%dma_wait3A_32] : memref<8388608xf32, #tpu.memory_space<hbm>> -> memref<16384xf32, #tpu.memory_space<hbm>>
      %dma_wait3A_34 = arith.constant 0 : i32
      %dma_wait3A_35 = tpu.memref_slice %arg3[%dma_wait3A_34] : memref<8388608xf32, #tpu.memory_space<hbm>> -> memref<16384xf32, #tpu.memory_space<hbm>>
      tpu.wait_dma2 semaphore(%arg10 : memref<!tpu.dma_semaphore, #tpu.memory_space<semaphore_mem>>) src(%dma_wait3A_35 : memref<16384xf32, #tpu.memory_space<hbm>>) dst(%arg6 : memref<16384xf32, #tpu.memory_space<vmem>>)
      %scan3A_36 = arith.constant 0 : i32
      %scan3A_37 = arith.constant 64 : i32
      %scan3A_38 = arith.addi %scan3A_36, %scan3A_37 : i32
      %scan3A_39 = arith.constant 1 : i32
      %scan3A_40:2 = scf.for %scan3A_63 = %scan3A_36 to %scan3A_38 step %scan3A_39 iter_args(%scan3A_64 = %scan3A_27, %scan3A_65 = %scan3A_28) -> (vector<16xf32>, vector<16xf32>)  : i32 {
        %mul3A_66 = arith.constant 256 : i32
        %mul3A_67 = arith.muli %scan3A_63, %mul3A_66 : i32
        %add3A_68 = arith.constant 0 : i32
        %add3A_69 = arith.addi %mul3A_67, %add3A_68 : i32
        %get3A = arith.index_cast %add3A_69 : i32 to index
        %get3A_70 = tpu.vector_load %arg5[%get3A] {strides = array<i32>} : memref<16384xf32, #tpu.memory_space<vmem>>, vector<16xf32>,
        %get3A_71 = vector.shape_cast %get3A_70 : vector<16xf32> to vector<16xf32>
        %add3A_72 = arith.constant 0 : i32
        %add3A_73 = arith.addi %mul3A_67, %add3A_72 : i32
        %get3A_74 = arith.index_cast %add3A_73 : i32 to index
        %get3A_75 = tpu.vector_load %arg6[%get3A_74] {strides = array<i32>} : memref<16384xf32, #tpu.memory_space<vmem>>, vector<16xf32>,
        %get3A_76 = vector.shape_cast %get3A_75 : vector<16xf32> to vector<16xf32>
        %add3A_77 = arith.constant 128 : i32
        %add3A_78 = arith.addi %mul3A_67, %add3A_77 : i32
        %add3A_79 = arith.constant 0 : i32
        %add3A_80 = arith.addi %add3A_78, %add3A_79 : i32
        %get3A_81 = arith.index_cast %add3A_80 : i32 to index
        %get3A_82 = tpu.vector_load %arg5[%get3A_81] {strides = array<i32>} : memref<16384xf32, #tpu.memory_space<vmem>>, vector<16xf32>,
        %get3A_83 = vector.shape_cast %get3A_82 : vector<16xf32> to vector<16xf32>
        %add3A_84 = arith.constant 128 : i32
        %add3A_85 = arith.addi %mul3A_67, %add3A_84 : i32
        %add3A_86 = arith.constant 0 : i32
        %add3A_87 = arith.addi %add3A_85, %add3A_86 : i32
        %get3A_88 = arith.index_cast %add3A_87 : i32 to index
        %get3A_89 = tpu.vector_load %arg6[%get3A_88] {strides = array<i32>} : memref<16384xf32, #tpu.memory_space<vmem>>, vector<16xf32>,
        %get3A_90 = vector.shape_cast %get3A_89 : vector<16xf32> to vector<16xf32>
        %eq3A = arith.constant 0.000000e+00 : f32
        %eq3A_91 = vector.broadcast %eq3A : f32 to vector<16xf32>
        %eq3A_92 = arith.cmpf oeq, %get3A_90, %eq3A_91 : vector<16xf32>
        %mul3A_93 = arith.constant 5.000000e-01 : f32
        %mul3A_94 = vector.broadcast %mul3A_93 : f32 to vector<16xf32>
        %mul3A_95 = arith.mulf %mul3A_94, %get3A_71 : vector<16xf32>
        %mul3A_96 = arith.constant 1.500000e+00 : f32
        %mul3A_97 = vector.broadcast %mul3A_96 : f32 to vector<16xf32>
        %mul3A_98 = arith.mulf %mul3A_97, %get3A_76 : vector<16xf32>
        %sub3A = arith.subf %mul3A_95, %mul3A_98 : vector<16xf32>
        %sub3A_99 = arith.subf %get3A_71, %get3A_76 : vector<16xf32>
        %select_n3A = arith.select %eq3A_92, %sub3A, %sub3A_99 : vector<16xi1>, vector<16xf32>
        %sub3A_100 = arith.subf %get3A_83, %get3A_90 : vector<16xf32>
        %mul3A_101 = arith.mulf %select_n3A, %select_n3A : vector<16xf32>
        %add3A_102 = arith.addf %scan3A_64, %mul3A_101 : vector<16xf32>
        %mul3A_103 = arith.mulf %sub3A_100, %sub3A_100 : vector<16xf32>
        %add3A_104 = arith.addf %scan3A_65, %mul3A_103 : vector<16xf32>
        %add3A_105 = arith.constant 16 : i32
        %add3A_106 = arith.addi %mul3A_67, %add3A_105 : i32
        %get3A_107 = arith.index_cast %add3A_106 : i32 to index
        %get3A_108 = tpu.vector_load %arg5[%get3A_107] {strides = array<i32>} : memref<16384xf32, #tpu.memory_space<vmem>>, vector<16xf32>,
        %get3A_109 = vector.shape_cast %get3A_108 : vector<16xf32> to vector<16xf32>
        %add3A_110 = arith.constant 16 : i32
        %add3A_111 = arith.addi %mul3A_67, %add3A_110 : i32
        %get3A_112 = arith.index_cast %add3A_111 : i32 to index
        %get3A_113 = tpu.vector_load %arg6[%get3A_112] {strides = array<i32>} : memref<16384xf32, #tpu.memory_space<vmem>>, vector<16xf32>,
        %get3A_114 = vector.shape_cast %get3A_113 : vector<16xf32> to vector<16xf32>
        %add3A_115 = arith.constant 128 : i32
        %add3A_116 = arith.addi %mul3A_67, %add3A_115 : i32
        %add3A_117 = arith.constant 16 : i32
        %add3A_118 = arith.addi %add3A_116, %add3A_117 : i32
        %get3A_119 = arith.index_cast %add3A_118 : i32 to index
        %get3A_120 = tpu.vector_load %arg5[%get3A_119] {strides = array<i32>} : memref<16384xf32, #tpu.memory_space<vmem>>, vector<16xf32>,
        %get3A_121 = vector.shape_cast %get3A_120 : vector<16xf32> to vector<16xf32>
        %add3A_122 = arith.constant 128 : i32
        %add3A_123 = arith.addi %mul3A_67, %add3A_122 : i32
        %add3A_124 = arith.constant 16 : i32
        %add3A_125 = arith.addi %add3A_123, %add3A_124 : i32
        %get3A_126 = arith.index_cast %add3A_125 : i32 to index
        %get3A_127 = tpu.vector_load %arg6[%get3A_126] {strides = array<i32>} : memref<16384xf32, #tpu.memory_space<vmem>>, vector<16xf32>,
        %get3A_128 = vector.shape_cast %get3A_127 : vector<16xf32> to vector<16xf32>
        %eq3A_129 = arith.constant 0.000000e+00 : f32
        %eq3A_130 = vector.broadcast %eq3A_129 : f32 to vector<16xf32>
        %eq3A_131 = arith.cmpf oeq, %get3A_128, %eq3A_130 : vector<16xf32>
        %mul3A_132 = arith.constant 5.000000e-01 : f32
        %mul3A_133 = vector.broadcast %mul3A_132 : f32 to vector<16xf32>
        %mul3A_134 = arith.mulf %mul3A_133, %get3A_109 : vector<16xf32>
        %mul3A_135 = arith.constant 1.500000e+00 : f32
        %mul3A_136 = vector.broadcast %mul3A_135 : f32 to vector<16xf32>
        %mul3A_137 = arith.mulf %mul3A_136, %get3A_114 : vector<16xf32>
        %sub3A_138 = arith.subf %mul3A_134, %mul3A_137 : vector<16xf32>
        %sub3A_139 = arith.subf %get3A_109, %get3A_114 : vector<16xf32>
        %select_n3A_140 = arith.select %eq3A_131, %sub3A_138, %sub3A_139 : vector<16xi1>, vector<16xf32>
        %sub3A_141 = arith.subf %get3A_121, %get3A_128 : vector<16xf32>
        %mul3A_142 = arith.mulf %select_n3A_140, %select_n3A_140 : vector<16xf32>
        %add3A_143 = arith.addf %add3A_102, %mul3A_142 : vector<16xf32>
        %mul3A_144 = arith.mulf %sub3A_141, %sub3A_141 : vector<16xf32>
        %add3A_145 = arith.addf %add3A_104, %mul3A_144 : vector<16xf32>
        %add3A_146 = arith.constant 32 : i32
        %add3A_147 = arith.addi %mul3A_67, %add3A_146 : i32
        %get3A_148 = arith.index_cast %add3A_147 : i32 to index
        %get3A_149 = tpu.vector_load %arg5[%get3A_148] {strides = array<i32>} : memref<16384xf32, #tpu.memory_space<vmem>>, vector<16xf32>,
        %get3A_150 = vector.shape_cast %get3A_149 : vector<16xf32> to vector<16xf32>
        %add3A_151 = arith.constant 32 : i32
        %add3A_152 = arith.addi %mul3A_67, %add3A_151 : i32
        %get3A_153 = arith.index_cast %add3A_152 : i32 to index
        %get3A_154 = tpu.vector_load %arg6[%get3A_153] {strides = array<i32>} : memref<16384xf32, #tpu.memory_space<vmem>>, vector<16xf32>,
        %get3A_155 = vector.shape_cast %get3A_154 : vector<16xf32> to vector<16xf32>
        %add3A_156 = arith.constant 128 : i32
        %add3A_157 = arith.addi %mul3A_67, %add3A_156 : i32
        %add3A_158 = arith.constant 32 : i32
        %add3A_159 = arith.addi %add3A_157, %add3A_158 : i32
        %get3A_160 = arith.index_cast %add3A_159 : i32 to index
        %get3A_161 = tpu.vector_load %arg5[%get3A_160] {strides = array<i32>} : memref<16384xf32, #tpu.memory_space<vmem>>, vector<16xf32>,
        %get3A_162 = vector.shape_cast %get3A_161 : vector<16xf32> to vector<16xf32>
        %add3A_163 = arith.constant 128 : i32
        %add3A_164 = arith.addi %mul3A_67, %add3A_163 : i32
        %add3A_165 = arith.constant 32 : i32
        %add3A_166 = arith.addi %add3A_164, %add3A_165 : i32
        %get3A_167 = arith.index_cast %add3A_166 : i32 to index
        %get3A_168 = tpu.vector_load %arg6[%get3A_167] {strides = array<i32>} : memref<16384xf32, #tpu.memory_space<vmem>>, vector<16xf32>,
        %get3A_169 = vector.shape_cast %get3A_168 : vector<16xf32> to vector<16xf32>
        %eq3A_170 = arith.constant 0.000000e+00 : f32
        %eq3A_171 = vector.broadcast %eq3A_170 : f32 to vector<16xf32>
        %eq3A_172 = arith.cmpf oeq, %get3A_169, %eq3A_171 : vector<16xf32>
        %mul3A_173 = arith.constant 5.000000e-01 : f32
        %mul3A_174 = vector.broadcast %mul3A_173 : f32 to vector<16xf32>
        %mul3A_175 = arith.mulf %mul3A_174, %get3A_150 : vector<16xf32>
        %mul3A_176 = arith.constant 1.500000e+00 : f32
        %mul3A_177 = vector.broadcast %mul3A_176 : f32 to vector<16xf32>
        %mul3A_178 = arith.mulf %mul3A_177, %get3A_155 : vector<16xf32>
        %sub3A_179 = arith.subf %mul3A_175, %mul3A_178 : vector<16xf32>
        %sub3A_180 = arith.subf %get3A_150, %get3A_155 : vector<16xf32>
        %select_n3A_181 = arith.select %eq3A_172, %sub3A_179, %sub3A_180 : vector<16xi1>, vector<16xf32>
        %sub3A_182 = arith.subf %get3A_162, %get3A_169 : vector<16xf32>
        %mul3A_183 = arith.mulf %select_n3A_181, %select_n3A_181 : vector<16xf32>
        %add3A_184 = arith.addf %add3A_143, %mul3A_183 : vector<16xf32>
        %mul3A_185 = arith.mulf %sub3A_182, %sub3A_182 : vector<16xf32>
        %add3A_186 = arith.addf %add3A_145, %mul3A_185 : vector<16xf32>
        %add3A_187 = arith.constant 48 : i32
        %add3A_188 = arith.addi %mul3A_67, %add3A_187 : i32
        %get3A_189 = arith.index_cast %add3A_188 : i32 to index
        %get3A_190 = tpu.vector_load %arg5[%get3A_189] {strides = array<i32>} : memref<16384xf32, #tpu.memory_space<vmem>>, vector<16xf32>,
        %get3A_191 = vector.shape_cast %get3A_190 : vector<16xf32> to vector<16xf32>
        %add3A_192 = arith.constant 48 : i32
        %add3A_193 = arith.addi %mul3A_67, %add3A_192 : i32
        %get3A_194 = arith.index_cast %add3A_193 : i32 to index
        %get3A_195 = tpu.vector_load %arg6[%get3A_194] {strides = array<i32>} : memref<16384xf32, #tpu.memory_space<vmem>>, vector<16xf32>,
        %get3A_196 = vector.shape_cast %get3A_195 : vector<16xf32> to vector<16xf32>
        %add3A_197 = arith.constant 128 : i32
        %add3A_198 = arith.addi %mul3A_67, %add3A_197 : i32
        %add3A_199 = arith.constant 48 : i32
        %add3A_200 = arith.addi %add3A_198, %add3A_199 : i32
        %get3A_201 = arith.index_cast %add3A_200 : i32 to index
        %get3A_202 = tpu.vector_load %arg5[%get3A_201] {strides = array<i32>} : memref<16384xf32, #tpu.memory_space<vmem>>, vector<16xf32>,
        %get3A_203 = vector.shape_cast %get3A_202 : vector<16xf32> to vector<16xf32>
        %add3A_204 = arith.constant 128 : i32
        %add3A_205 = arith.addi %mul3A_67, %add3A_204 : i32
        %add3A_206 = arith.constant 48 : i32
        %add3A_207 = arith.addi %add3A_205, %add3A_206 : i32
        %get3A_208 = arith.index_cast %add3A_207 : i32 to index
        %get3A_209 = tpu.vector_load %arg6[%get3A_208] {strides = array<i32>} : memref<16384xf32, #tpu.memory_space<vmem>>, vector<16xf32>,
        %get3A_210 = vector.shape_cast %get3A_209 : vector<16xf32> to vector<16xf32>
        %eq3A_211 = arith.constant 0.000000e+00 : f32
        %eq3A_212 = vector.broadcast %eq3A_211 : f32 to vector<16xf32>
        %eq3A_213 = arith.cmpf oeq, %get3A_210, %eq3A_212 : vector<16xf32>
        %mul3A_214 = arith.constant 5.000000e-01 : f32
        %mul3A_215 = vector.broadcast %mul3A_214 : f32 to vector<16xf32>
        %mul3A_216 = arith.mulf %mul3A_215, %get3A_191 : vector<16xf32>
        %mul3A_217 = arith.constant 1.500000e+00 : f32
        %mul3A_218 = vector.broadcast %mul3A_217 : f32 to vector<16xf32>
        %mul3A_219 = arith.mulf %mul3A_218, %get3A_196 : vector<16xf32>
        %sub3A_220 = arith.subf %mul3A_216, %mul3A_219 : vector<16xf32>
        %sub3A_221 = arith.subf %get3A_191, %get3A_196 : vector<16xf32>
        %select_n3A_222 = arith.select %eq3A_213, %sub3A_220, %sub3A_221 : vector<16xi1>, vector<16xf32>
        %sub3A_223 = arith.subf %get3A_203, %get3A_210 : vector<16xf32>
        %mul3A_224 = arith.mulf %select_n3A_222, %select_n3A_222 : vector<16xf32>
        %add3A_225 = arith.addf %add3A_184, %mul3A_224 : vector<16xf32>
        %mul3A_226 = arith.mulf %sub3A_223, %sub3A_223 : vector<16xf32>
        %add3A_227 = arith.addf %add3A_186, %mul3A_226 : vector<16xf32>
        %add3A_228 = arith.constant 64 : i32
        %add3A_229 = arith.addi %mul3A_67, %add3A_228 : i32
        %get3A_230 = arith.index_cast %add3A_229 : i32 to index
        %get3A_231 = tpu.vector_load %arg5[%get3A_230] {strides = array<i32>} : memref<16384xf32, #tpu.memory_space<vmem>>, vector<16xf32>,
        %get3A_232 = vector.shape_cast %get3A_231 : vector<16xf32> to vector<16xf32>
        %add3A_233 = arith.constant 64 : i32
        %add3A_234 = arith.addi %mul3A_67, %add3A_233 : i32
        %get3A_235 = arith.index_cast %add3A_234 : i32 to index
        %get3A_236 = tpu.vector_load %arg6[%get3A_235] {strides = array<i32>} : memref<16384xf32, #tpu.memory_space<vmem>>, vector<16xf32>,
        %get3A_237 = vector.shape_cast %get3A_236 : vector<16xf32> to vector<16xf32>
        %add3A_238 = arith.constant 128 : i32
        %add3A_239 = arith.addi %mul3A_67, %add3A_238 : i32
        %add3A_240 = arith.constant 64 : i32
        %add3A_241 = arith.addi %add3A_239, %add3A_240 : i32
        %get3A_242 = arith.index_cast %add3A_241 : i32 to index
        %get3A_243 = tpu.vector_load %arg5[%get3A_242] {strides = array<i32>} : memref<16384xf32, #tpu.memory_space<vmem>>, vector<16xf32>,
        %get3A_244 = vector.shape_cast %get3A_243 : vector<16xf32> to vector<16xf32>
        %add3A_245 = arith.constant 128 : i32
        %add3A_246 = arith.addi %mul3A_67, %add3A_245 : i32
        %add3A_247 = arith.constant 64 : i32
        %add3A_248 = arith.addi %add3A_246, %add3A_247 : i32
        %get3A_249 = arith.index_cast %add3A_248 : i32 to index
        %get3A_250 = tpu.vector_load %arg6[%get3A_249] {strides = array<i32>} : memref<16384xf32, #tpu.memory_space<vmem>>, vector<16xf32>,
        %get3A_251 = vector.shape_cast %get3A_250 : vector<16xf32> to vector<16xf32>
        %eq3A_252 = arith.constant 0.000000e+00 : f32
        %eq3A_253 = vector.broadcast %eq3A_252 : f32 to vector<16xf32>
        %eq3A_254 = arith.cmpf oeq, %get3A_251, %eq3A_253 : vector<16xf32>
        %mul3A_255 = arith.constant 5.000000e-01 : f32
        %mul3A_256 = vector.broadcast %mul3A_255 : f32 to vector<16xf32>
        %mul3A_257 = arith.mulf %mul3A_256, %get3A_232 : vector<16xf32>
        %mul3A_258 = arith.constant 1.500000e+00 : f32
        %mul3A_259 = vector.broadcast %mul3A_258 : f32 to vector<16xf32>
        %mul3A_260 = arith.mulf %mul3A_259, %get3A_237 : vector<16xf32>
        %sub3A_261 = arith.subf %mul3A_257, %mul3A_260 : vector<16xf32>
        %sub3A_262 = arith.subf %get3A_232, %get3A_237 : vector<16xf32>
        %select_n3A_263 = arith.select %eq3A_254, %sub3A_261, %sub3A_262 : vector<16xi1>, vector<16xf32>
        %sub3A_264 = arith.subf %get3A_244, %get3A_251 : vector<16xf32>
        %mul3A_265 = arith.mulf %select_n3A_263, %select_n3A_263 : vector<16xf32>
        %add3A_266 = arith.addf %add3A_225, %mul3A_265 : vector<16xf32>
        %mul3A_267 = arith.mulf %sub3A_264, %sub3A_264 : vector<16xf32>
        %add3A_268 = arith.addf %add3A_227, %mul3A_267 : vector<16xf32>
        %add3A_269 = arith.constant 80 : i32
        %add3A_270 = arith.addi %mul3A_67, %add3A_269 : i32
        %get3A_271 = arith.index_cast %add3A_270 : i32 to index
        %get3A_272 = tpu.vector_load %arg5[%get3A_271] {strides = array<i32>} : memref<16384xf32, #tpu.memory_space<vmem>>, vector<16xf32>,
        %get3A_273 = vector.shape_cast %get3A_272 : vector<16xf32> to vector<16xf32>
        %add3A_274 = arith.constant 80 : i32
        %add3A_275 = arith.addi %mul3A_67, %add3A_274 : i32
        %get3A_276 = arith.index_cast %add3A_275 : i32 to index
        %get3A_277 = tpu.vector_load %arg6[%get3A_276] {strides = array<i32>} : memref<16384xf32, #tpu.memory_space<vmem>>, vector<16xf32>,
        %get3A_278 = vector.shape_cast %get3A_277 : vector<16xf32> to vector<16xf32>
        %add3A_279 = arith.constant 128 : i32
        %add3A_280 = arith.addi %mul3A_67, %add3A_279 : i32
        %add3A_281 = arith.constant 80 : i32
        %add3A_282 = arith.addi %add3A_280, %add3A_281 : i32
        %get3A_283 = arith.index_cast %add3A_282 : i32 to index
        %get3A_284 = tpu.vector_load %arg5[%get3A_283] {strides = array<i32>} : memref<16384xf32, #tpu.memory_space<vmem>>, vector<16xf32>,
        %get3A_285 = vector.shape_cast %get3A_284 : vector<16xf32> to vector<16xf32>
        %add3A_286 = arith.constant 128 : i32
        %add3A_287 = arith.addi %mul3A_67, %add3A_286 : i32
        %add3A_288 = arith.constant 80 : i32
        %add3A_289 = arith.addi %add3A_287, %add3A_288 : i32
        %get3A_290 = arith.index_cast %add3A_289 : i32 to index
        %get3A_291 = tpu.vector_load %arg6[%get3A_290] {strides = array<i32>} : memref<16384xf32, #tpu.memory_space<vmem>>, vector<16xf32>,
        %get3A_292 = vector.shape_cast %get3A_291 : vector<16xf32> to vector<16xf32>
        %eq3A_293 = arith.constant 0.000000e+00 : f32
        %eq3A_294 = vector.broadcast %eq3A_293 : f32 to vector<16xf32>
        %eq3A_295 = arith.cmpf oeq, %get3A_292, %eq3A_294 : vector<16xf32>
        %mul3A_296 = arith.constant 5.000000e-01 : f32
        %mul3A_297 = vector.broadcast %mul3A_296 : f32 to vector<16xf32>
        %mul3A_298 = arith.mulf %mul3A_297, %get3A_273 : vector<16xf32>
        %mul3A_299 = arith.constant 1.500000e+00 : f32
        %mul3A_300 = vector.broadcast %mul3A_299 : f32 to vector<16xf32>
        %mul3A_301 = arith.mulf %mul3A_300, %get3A_278 : vector<16xf32>
        %sub3A_302 = arith.subf %mul3A_298, %mul3A_301 : vector<16xf32>
        %sub3A_303 = arith.subf %get3A_273, %get3A_278 : vector<16xf32>
        %select_n3A_304 = arith.select %eq3A_295, %sub3A_302, %sub3A_303 : vector<16xi1>, vector<16xf32>
        %sub3A_305 = arith.subf %get3A_285, %get3A_292 : vector<16xf32>
        %mul3A_306 = arith.mulf %select_n3A_304, %select_n3A_304 : vector<16xf32>
        %add3A_307 = arith.addf %add3A_266, %mul3A_306 : vector<16xf32>
        %mul3A_308 = arith.mulf %sub3A_305, %sub3A_305 : vector<16xf32>
        %add3A_309 = arith.addf %add3A_268, %mul3A_308 : vector<16xf32>
        %add3A_310 = arith.constant 96 : i32
        %add3A_311 = arith.addi %mul3A_67, %add3A_310 : i32
        %get3A_312 = arith.index_cast %add3A_311 : i32 to index
        %get3A_313 = tpu.vector_load %arg5[%get3A_312] {strides = array<i32>} : memref<16384xf32, #tpu.memory_space<vmem>>, vector<16xf32>,
        %get3A_314 = vector.shape_cast %get3A_313 : vector<16xf32> to vector<16xf32>
        %add3A_315 = arith.constant 96 : i32
        %add3A_316 = arith.addi %mul3A_67, %add3A_315 : i32
        %get3A_317 = arith.index_cast %add3A_316 : i32 to index
        %get3A_318 = tpu.vector_load %arg6[%get3A_317] {strides = array<i32>} : memref<16384xf32, #tpu.memory_space<vmem>>, vector<16xf32>,
        %get3A_319 = vector.shape_cast %get3A_318 : vector<16xf32> to vector<16xf32>
        %add3A_320 = arith.constant 128 : i32
        %add3A_321 = arith.addi %mul3A_67, %add3A_320 : i32
        %add3A_322 = arith.constant 96 : i32
        %add3A_323 = arith.addi %add3A_321, %add3A_322 : i32
        %get3A_324 = arith.index_cast %add3A_323 : i32 to index
        %get3A_325 = tpu.vector_load %arg5[%get3A_324] {strides = array<i32>} : memref<16384xf32, #tpu.memory_space<vmem>>, vector<16xf32>,
        %get3A_326 = vector.shape_cast %get3A_325 : vector<16xf32> to vector<16xf32>
        %add3A_327 = arith.constant 128 : i32
        %add3A_328 = arith.addi %mul3A_67, %add3A_327 : i32
        %add3A_329 = arith.constant 96 : i32
        %add3A_330 = arith.addi %add3A_328, %add3A_329 : i32
        %get3A_331 = arith.index_cast %add3A_330 : i32 to index
        %get3A_332 = tpu.vector_load %arg6[%get3A_331] {strides = array<i32>} : memref<16384xf32, #tpu.memory_space<vmem>>, vector<16xf32>,
        %get3A_333 = vector.shape_cast %get3A_332 : vector<16xf32> to vector<16xf32>
        %eq3A_334 = arith.constant 0.000000e+00 : f32
        %eq3A_335 = vector.broadcast %eq3A_334 : f32 to vector<16xf32>
        %eq3A_336 = arith.cmpf oeq, %get3A_333, %eq3A_335 : vector<16xf32>
        %mul3A_337 = arith.constant 5.000000e-01 : f32
        %mul3A_338 = vector.broadcast %mul3A_337 : f32 to vector<16xf32>
        %mul3A_339 = arith.mulf %mul3A_338, %get3A_314 : vector<16xf32>
        %mul3A_340 = arith.constant 1.500000e+00 : f32
        %mul3A_341 = vector.broadcast %mul3A_340 : f32 to vector<16xf32>
        %mul3A_342 = arith.mulf %mul3A_341, %get3A_319 : vector<16xf32>
        %sub3A_343 = arith.subf %mul3A_339, %mul3A_342 : vector<16xf32>
        %sub3A_344 = arith.subf %get3A_314, %get3A_319 : vector<16xf32>
        %select_n3A_345 = arith.select %eq3A_336, %sub3A_343, %sub3A_344 : vector<16xi1>, vector<16xf32>
        %sub3A_346 = arith.subf %get3A_326, %get3A_333 : vector<16xf32>
        %mul3A_347 = arith.mulf %select_n3A_345, %select_n3A_345 : vector<16xf32>
        %add3A_348 = arith.addf %add3A_307, %mul3A_347 : vector<16xf32>
        %mul3A_349 = arith.mulf %sub3A_346, %sub3A_346 : vector<16xf32>
        %add3A_350 = arith.addf %add3A_309, %mul3A_349 : vector<16xf32>
        %add3A_351 = arith.constant 112 : i32
        %add3A_352 = arith.addi %mul3A_67, %add3A_351 : i32
        %get3A_353 = arith.index_cast %add3A_352 : i32 to index
        %get3A_354 = tpu.vector_load %arg5[%get3A_353] {strides = array<i32>} : memref<16384xf32, #tpu.memory_space<vmem>>, vector<16xf32>,
        %get3A_355 = vector.shape_cast %get3A_354 : vector<16xf32> to vector<16xf32>
        %add3A_356 = arith.constant 112 : i32
        %add3A_357 = arith.addi %mul3A_67, %add3A_356 : i32
        %get3A_358 = arith.index_cast %add3A_357 : i32 to index
        %get3A_359 = tpu.vector_load %arg6[%get3A_358] {strides = array<i32>} : memref<16384xf32, #tpu.memory_space<vmem>>, vector<16xf32>,
        %get3A_360 = vector.shape_cast %get3A_359 : vector<16xf32> to vector<16xf32>
        %add3A_361 = arith.constant 128 : i32
        %add3A_362 = arith.addi %mul3A_67, %add3A_361 : i32
        %add3A_363 = arith.constant 112 : i32
        %add3A_364 = arith.addi %add3A_362, %add3A_363 : i32
        %get3A_365 = arith.index_cast %add3A_364 : i32 to index
        %get3A_366 = tpu.vector_load %arg5[%get3A_365] {strides = array<i32>} : memref<16384xf32, #tpu.memory_space<vmem>>, vector<16xf32>,
        %get3A_367 = vector.shape_cast %get3A_366 : vector<16xf32> to vector<16xf32>
        %add3A_368 = arith.constant 128 : i32
        %add3A_369 = arith.addi %mul3A_67, %add3A_368 : i32
        %add3A_370 = arith.constant 112 : i32
        %add3A_371 = arith.addi %add3A_369, %add3A_370 : i32
        %get3A_372 = arith.index_cast %add3A_371 : i32 to index
        %get3A_373 = tpu.vector_load %arg6[%get3A_372] {strides = array<i32>} : memref<16384xf32, #tpu.memory_space<vmem>>, vector<16xf32>,
        %get3A_374 = vector.shape_cast %get3A_373 : vector<16xf32> to vector<16xf32>
        %eq3A_375 = arith.constant 0.000000e+00 : f32
        %eq3A_376 = vector.broadcast %eq3A_375 : f32 to vector<16xf32>
        %eq3A_377 = arith.cmpf oeq, %get3A_374, %eq3A_376 : vector<16xf32>
        %mul3A_378 = arith.constant 5.000000e-01 : f32
        %mul3A_379 = vector.broadcast %mul3A_378 : f32 to vector<16xf32>
        %mul3A_380 = arith.mulf %mul3A_379, %get3A_355 : vector<16xf32>
        %mul3A_381 = arith.constant 1.500000e+00 : f32
        %mul3A_382 = vector.broadcast %mul3A_381 : f32 to vector<16xf32>
        %mul3A_383 = arith.mulf %mul3A_382, %get3A_360 : vector<16xf32>
        %sub3A_384 = arith.subf %mul3A_380, %mul3A_383 : vector<16xf32>
        %sub3A_385 = arith.subf %get3A_355, %get3A_360 : vector<16xf32>
        %select_n3A_386 = arith.select %eq3A_377, %sub3A_384, %sub3A_385 : vector<16xi1>, vector<16xf32>
        %sub3A_387 = arith.subf %get3A_367, %get3A_374 : vector<16xf32>
        %mul3A_388 = arith.mulf %select_n3A_386, %select_n3A_386 : vector<16xf32>
        %add3A_389 = arith.addf %add3A_348, %mul3A_388 : vector<16xf32>
        %mul3A_390 = arith.mulf %sub3A_387, %sub3A_387 : vector<16xf32>
        %add3A_391 = arith.addf %add3A_350, %mul3A_390 : vector<16xf32>
        scf.yield %add3A_389, %add3A_391 : vector<16xf32>, vector<16xf32>
      }
      %scan3A_41 = arith.constant 64 : i32
      %lt3A = arith.constant 2 : i32
      %lt3A_42 = arith.cmpi slt, %scan3A_26, %lt3A : i32
      %convert_element_type3A = arith.extui %lt3A_42 : i1 to i32
      %cond3A = arith.constant 0 : i32
      %cond3A_43 = arith.cmpi ne, %convert_element_type3A, %cond3A : i32
      scf.if %cond3A_43 {
        %mul3A_63 = arith.constant 2 : i32
        %mul3A_64 = arith.muli %mul3A_63, %scan3A_26 : i32
        %add3A_65 = arith.constant 2 : i32
        %add3A_66 = arith.addi %mul3A_64, %add3A_65 : i32
        %mul3A_67 = arith.constant 16384 : i32
        %mul3A_68 = arith.muli %add3A_66, %mul3A_67 : i32
        %add3A_69 = arith.addi %add3A_4, %mul3A_68 : i32
        %dma_start3A_70 = tpu.memref_slice %arg2[%add3A_69] : memref<8388608xf32, #tpu.memory_space<hbm>> -> memref<16384xf32, #tpu.memory_space<hbm>>
        %dma_start3A_71 = tpu.memref_slice %arg2[%add3A_69] : memref<8388608xf32, #tpu.memory_space<hbm>> -> memref<16384xf32, #tpu.memory_space<hbm>>
        tpu.enqueue_dma source(%dma_start3A_71 : memref<16384xf32, #tpu.memory_space<hbm>>) target(%arg5 : memref<16384xf32, #tpu.memory_space<vmem>>) target_semaphore(%arg10 : memref<!tpu.dma_semaphore, #tpu.memory_space<semaphore_mem>>)
        %dma_start3A_72 = tpu.memref_slice %arg3[%add3A_69] : memref<8388608xf32, #tpu.memory_space<hbm>> -> memref<16384xf32, #tpu.memory_space<hbm>>
        %dma_start3A_73 = tpu.memref_slice %arg3[%add3A_69] : memref<8388608xf32, #tpu.memory_space<hbm>> -> memref<16384xf32, #tpu.memory_space<hbm>>
        tpu.enqueue_dma source(%dma_start3A_73 : memref<16384xf32, #tpu.memory_space<hbm>>) target(%arg6 : memref<16384xf32, #tpu.memory_space<vmem>>) target_semaphore(%arg10 : memref<!tpu.dma_semaphore, #tpu.memory_space<semaphore_mem>>)
      } else {
      }
      %dma_wait3A_44 = arith.constant 0 : i32
      %dma_wait3A_45 = tpu.memref_slice %arg2[%dma_wait3A_44] : memref<8388608xf32, #tpu.memory_space<hbm>> -> memref<16384xf32, #tpu.memory_space<hbm>>
      %dma_wait3A_46 = arith.constant 0 : i32
      %dma_wait3A_47 = tpu.memref_slice %arg2[%dma_wait3A_46] : memref<8388608xf32, #tpu.memory_space<hbm>> -> memref<16384xf32, #tpu.memory_space<hbm>>
      tpu.wait_dma2 semaphore(%arg11 : memref<!tpu.dma_semaphore, #tpu.memory_space<semaphore_mem>>) src(%dma_wait3A_47 : memref<16384xf32, #tpu.memory_space<hbm>>) dst(%arg7 : memref<16384xf32, #tpu.memory_space<vmem>>)
      %dma_wait3A_48 = arith.constant 0 : i32
      %dma_wait3A_49 = tpu.memref_slice %arg3[%dma_wait3A_48] : memref<8388608xf32, #tpu.memory_space<hbm>> -> memref<16384xf32, #tpu.memory_space<hbm>>
      %dma_wait3A_50 = arith.constant 0 : i32
      %dma_wait3A_51 = tpu.memref_slice %arg3[%dma_wait3A_50] : memref<8388608xf32, #tpu.memory_space<hbm>> -> memref<16384xf32, #tpu.memory_space<hbm>>
      tpu.wait_dma2 semaphore(%arg11 : memref<!tpu.dma_semaphore, #tpu.memory_space<semaphore_mem>>) src(%dma_wait3A_51 : memref<16384xf32, #tpu.memory_space<hbm>>) dst(%arg8 : memref<16384xf32, #tpu.memory_space<vmem>>)
      %scan3A_52 = arith.constant 0 : i32
      %scan3A_53 = arith.constant 64 : i32
      %scan3A_54 = arith.addi %scan3A_52, %scan3A_53 : i32
      %scan3A_55 = arith.constant 1 : i32
      %scan3A_56:2 = scf.for %scan3A_63 = %scan3A_52 to %scan3A_54 step %scan3A_55 iter_args(%scan3A_64 = %scan3A_40#0, %scan3A_65 = %scan3A_40#1) -> (vector<16xf32>, vector<16xf32>)  : i32 {
        %mul3A_66 = arith.constant 256 : i32
        %mul3A_67 = arith.muli %scan3A_63, %mul3A_66 : i32
        %add3A_68 = arith.constant 0 : i32
        %add3A_69 = arith.addi %mul3A_67, %add3A_68 : i32
        %get3A = arith.index_cast %add3A_69 : i32 to index
        %get3A_70 = tpu.vector_load %arg7[%get3A] {strides = array<i32>} : memref<16384xf32, #tpu.memory_space<vmem>>, vector<16xf32>,
        %get3A_71 = vector.shape_cast %get3A_70 : vector<16xf32> to vector<16xf32>
        %add3A_72 = arith.constant 0 : i32
        %add3A_73 = arith.addi %mul3A_67, %add3A_72 : i32
        %get3A_74 = arith.index_cast %add3A_73 : i32 to index
        %get3A_75 = tpu.vector_load %arg8[%get3A_74] {strides = array<i32>} : memref<16384xf32, #tpu.memory_space<vmem>>, vector<16xf32>,
        %get3A_76 = vector.shape_cast %get3A_75 : vector<16xf32> to vector<16xf32>
        %add3A_77 = arith.constant 128 : i32
        %add3A_78 = arith.addi %mul3A_67, %add3A_77 : i32
        %add3A_79 = arith.constant 0 : i32
        %add3A_80 = arith.addi %add3A_78, %add3A_79 : i32
        %get3A_81 = arith.index_cast %add3A_80 : i32 to index
        %get3A_82 = tpu.vector_load %arg7[%get3A_81] {strides = array<i32>} : memref<16384xf32, #tpu.memory_space<vmem>>, vector<16xf32>,
        %get3A_83 = vector.shape_cast %get3A_82 : vector<16xf32> to vector<16xf32>
        %add3A_84 = arith.constant 128 : i32
        %add3A_85 = arith.addi %mul3A_67, %add3A_84 : i32
        %add3A_86 = arith.constant 0 : i32
        %add3A_87 = arith.addi %add3A_85, %add3A_86 : i32
        %get3A_88 = arith.index_cast %add3A_87 : i32 to index
        %get3A_89 = tpu.vector_load %arg8[%get3A_88] {strides = array<i32>} : memref<16384xf32, #tpu.memory_space<vmem>>, vector<16xf32>,
        %get3A_90 = vector.shape_cast %get3A_89 : vector<16xf32> to vector<16xf32>
        %eq3A = arith.constant 0.000000e+00 : f32
        %eq3A_91 = vector.broadcast %eq3A : f32 to vector<16xf32>
        %eq3A_92 = arith.cmpf oeq, %get3A_90, %eq3A_91 : vector<16xf32>
        %mul3A_93 = arith.constant 5.000000e-01 : f32
        %mul3A_94 = vector.broadcast %mul3A_93 : f32 to vector<16xf32>
        %mul3A_95 = arith.mulf %mul3A_94, %get3A_71 : vector<16xf32>
        %mul3A_96 = arith.constant 1.500000e+00 : f32
        %mul3A_97 = vector.broadcast %mul3A_96 : f32 to vector<16xf32>
        %mul3A_98 = arith.mulf %mul3A_97, %get3A_76 : vector<16xf32>
        %sub3A = arith.subf %mul3A_95, %mul3A_98 : vector<16xf32>
        %sub3A_99 = arith.subf %get3A_71, %get3A_76 : vector<16xf32>
        %select_n3A = arith.select %eq3A_92, %sub3A, %sub3A_99 : vector<16xi1>, vector<16xf32>
        %sub3A_100 = arith.subf %get3A_83, %get3A_90 : vector<16xf32>
        %mul3A_101 = arith.mulf %select_n3A, %select_n3A : vector<16xf32>
        %add3A_102 = arith.addf %scan3A_64, %mul3A_101 : vector<16xf32>
        %mul3A_103 = arith.mulf %sub3A_100, %sub3A_100 : vector<16xf32>
        %add3A_104 = arith.addf %scan3A_65, %mul3A_103 : vector<16xf32>
        %add3A_105 = arith.constant 16 : i32
        %add3A_106 = arith.addi %mul3A_67, %add3A_105 : i32
        %get3A_107 = arith.index_cast %add3A_106 : i32 to index
        %get3A_108 = tpu.vector_load %arg7[%get3A_107] {strides = array<i32>} : memref<16384xf32, #tpu.memory_space<vmem>>, vector<16xf32>,
        %get3A_109 = vector.shape_cast %get3A_108 : vector<16xf32> to vector<16xf32>
        %add3A_110 = arith.constant 16 : i32
        %add3A_111 = arith.addi %mul3A_67, %add3A_110 : i32
        %get3A_112 = arith.index_cast %add3A_111 : i32 to index
        %get3A_113 = tpu.vector_load %arg8[%get3A_112] {strides = array<i32>} : memref<16384xf32, #tpu.memory_space<vmem>>, vector<16xf32>,
        %get3A_114 = vector.shape_cast %get3A_113 : vector<16xf32> to vector<16xf32>
        %add3A_115 = arith.constant 128 : i32
        %add3A_116 = arith.addi %mul3A_67, %add3A_115 : i32
        %add3A_117 = arith.constant 16 : i32
        %add3A_118 = arith.addi %add3A_116, %add3A_117 : i32
        %get3A_119 = arith.index_cast %add3A_118 : i32 to index
        %get3A_120 = tpu.vector_load %arg7[%get3A_119] {strides = array<i32>} : memref<16384xf32, #tpu.memory_space<vmem>>, vector<16xf32>,
        %get3A_121 = vector.shape_cast %get3A_120 : vector<16xf32> to vector<16xf32>
        %add3A_122 = arith.constant 128 : i32
        %add3A_123 = arith.addi %mul3A_67, %add3A_122 : i32
        %add3A_124 = arith.constant 16 : i32
        %add3A_125 = arith.addi %add3A_123, %add3A_124 : i32
        %get3A_126 = arith.index_cast %add3A_125 : i32 to index
        %get3A_127 = tpu.vector_load %arg8[%get3A_126] {strides = array<i32>} : memref<16384xf32, #tpu.memory_space<vmem>>, vector<16xf32>,
        %get3A_128 = vector.shape_cast %get3A_127 : vector<16xf32> to vector<16xf32>
        %eq3A_129 = arith.constant 0.000000e+00 : f32
        %eq3A_130 = vector.broadcast %eq3A_129 : f32 to vector<16xf32>
        %eq3A_131 = arith.cmpf oeq, %get3A_128, %eq3A_130 : vector<16xf32>
        %mul3A_132 = arith.constant 5.000000e-01 : f32
        %mul3A_133 = vector.broadcast %mul3A_132 : f32 to vector<16xf32>
        %mul3A_134 = arith.mulf %mul3A_133, %get3A_109 : vector<16xf32>
        %mul3A_135 = arith.constant 1.500000e+00 : f32
        %mul3A_136 = vector.broadcast %mul3A_135 : f32 to vector<16xf32>
        %mul3A_137 = arith.mulf %mul3A_136, %get3A_114 : vector<16xf32>
        %sub3A_138 = arith.subf %mul3A_134, %mul3A_137 : vector<16xf32>
        %sub3A_139 = arith.subf %get3A_109, %get3A_114 : vector<16xf32>
        %select_n3A_140 = arith.select %eq3A_131, %sub3A_138, %sub3A_139 : vector<16xi1>, vector<16xf32>
        %sub3A_141 = arith.subf %get3A_121, %get3A_128 : vector<16xf32>
        %mul3A_142 = arith.mulf %select_n3A_140, %select_n3A_140 : vector<16xf32>
        %add3A_143 = arith.addf %add3A_102, %mul3A_142 : vector<16xf32>
        %mul3A_144 = arith.mulf %sub3A_141, %sub3A_141 : vector<16xf32>
        %add3A_145 = arith.addf %add3A_104, %mul3A_144 : vector<16xf32>
        %add3A_146 = arith.constant 32 : i32
        %add3A_147 = arith.addi %mul3A_67, %add3A_146 : i32
        %get3A_148 = arith.index_cast %add3A_147 : i32 to index
        %get3A_149 = tpu.vector_load %arg7[%get3A_148] {strides = array<i32>} : memref<16384xf32, #tpu.memory_space<vmem>>, vector<16xf32>,
        %get3A_150 = vector.shape_cast %get3A_149 : vector<16xf32> to vector<16xf32>
        %add3A_151 = arith.constant 32 : i32
        %add3A_152 = arith.addi %mul3A_67, %add3A_151 : i32
        %get3A_153 = arith.index_cast %add3A_152 : i32 to index
        %get3A_154 = tpu.vector_load %arg8[%get3A_153] {strides = array<i32>} : memref<16384xf32, #tpu.memory_space<vmem>>, vector<16xf32>,
        %get3A_155 = vector.shape_cast %get3A_154 : vector<16xf32> to vector<16xf32>
        %add3A_156 = arith.constant 128 : i32
        %add3A_157 = arith.addi %mul3A_67, %add3A_156 : i32
        %add3A_158 = arith.constant 32 : i32
        %add3A_159 = arith.addi %add3A_157, %add3A_158 : i32
        %get3A_160 = arith.index_cast %add3A_159 : i32 to index
        %get3A_161 = tpu.vector_load %arg7[%get3A_160] {strides = array<i32>} : memref<16384xf32, #tpu.memory_space<vmem>>, vector<16xf32>,
        %get3A_162 = vector.shape_cast %get3A_161 : vector<16xf32> to vector<16xf32>
        %add3A_163 = arith.constant 128 : i32
        %add3A_164 = arith.addi %mul3A_67, %add3A_163 : i32
        %add3A_165 = arith.constant 32 : i32
        %add3A_166 = arith.addi %add3A_164, %add3A_165 : i32
        %get3A_167 = arith.index_cast %add3A_166 : i32 to index
        %get3A_168 = tpu.vector_load %arg8[%get3A_167] {strides = array<i32>} : memref<16384xf32, #tpu.memory_space<vmem>>, vector<16xf32>,
        %get3A_169 = vector.shape_cast %get3A_168 : vector<16xf32> to vector<16xf32>
        %eq3A_170 = arith.constant 0.000000e+00 : f32
        %eq3A_171 = vector.broadcast %eq3A_170 : f32 to vector<16xf32>
        %eq3A_172 = arith.cmpf oeq, %get3A_169, %eq3A_171 : vector<16xf32>
        %mul3A_173 = arith.constant 5.000000e-01 : f32
        %mul3A_174 = vector.broadcast %mul3A_173 : f32 to vector<16xf32>
        %mul3A_175 = arith.mulf %mul3A_174, %get3A_150 : vector<16xf32>
        %mul3A_176 = arith.constant 1.500000e+00 : f32
        %mul3A_177 = vector.broadcast %mul3A_176 : f32 to vector<16xf32>
        %mul3A_178 = arith.mulf %mul3A_177, %get3A_155 : vector<16xf32>
        %sub3A_179 = arith.subf %mul3A_175, %mul3A_178 : vector<16xf32>
        %sub3A_180 = arith.subf %get3A_150, %get3A_155 : vector<16xf32>
        %select_n3A_181 = arith.select %eq3A_172, %sub3A_179, %sub3A_180 : vector<16xi1>, vector<16xf32>
        %sub3A_182 = arith.subf %get3A_162, %get3A_169 : vector<16xf32>
        %mul3A_183 = arith.mulf %select_n3A_181, %select_n3A_181 : vector<16xf32>
        %add3A_184 = arith.addf %add3A_143, %mul3A_183 : vector<16xf32>
        %mul3A_185 = arith.mulf %sub3A_182, %sub3A_182 : vector<16xf32>
        %add3A_186 = arith.addf %add3A_145, %mul3A_185 : vector<16xf32>
        %add3A_187 = arith.constant 48 : i32
        %add3A_188 = arith.addi %mul3A_67, %add3A_187 : i32
        %get3A_189 = arith.index_cast %add3A_188 : i32 to index
        %get3A_190 = tpu.vector_load %arg7[%get3A_189] {strides = array<i32>} : memref<16384xf32, #tpu.memory_space<vmem>>, vector<16xf32>,
        %get3A_191 = vector.shape_cast %get3A_190 : vector<16xf32> to vector<16xf32>
        %add3A_192 = arith.constant 48 : i32
        %add3A_193 = arith.addi %mul3A_67, %add3A_192 : i32
        %get3A_194 = arith.index_cast %add3A_193 : i32 to index
        %get3A_195 = tpu.vector_load %arg8[%get3A_194] {strides = array<i32>} : memref<16384xf32, #tpu.memory_space<vmem>>, vector<16xf32>,
        %get3A_196 = vector.shape_cast %get3A_195 : vector<16xf32> to vector<16xf32>
        %add3A_197 = arith.constant 128 : i32
        %add3A_198 = arith.addi %mul3A_67, %add3A_197 : i32
        %add3A_199 = arith.constant 48 : i32
        %add3A_200 = arith.addi %add3A_198, %add3A_199 : i32
        %get3A_201 = arith.index_cast %add3A_200 : i32 to index
        %get3A_202 = tpu.vector_load %arg7[%get3A_201] {strides = array<i32>} : memref<16384xf32, #tpu.memory_space<vmem>>, vector<16xf32>,
        %get3A_203 = vector.shape_cast %get3A_202 : vector<16xf32> to vector<16xf32>
        %add3A_204 = arith.constant 128 : i32
        %add3A_205 = arith.addi %mul3A_67, %add3A_204 : i32
        %add3A_206 = arith.constant 48 : i32
        %add3A_207 = arith.addi %add3A_205, %add3A_206 : i32
        %get3A_208 = arith.index_cast %add3A_207 : i32 to index
        %get3A_209 = tpu.vector_load %arg8[%get3A_208] {strides = array<i32>} : memref<16384xf32, #tpu.memory_space<vmem>>, vector<16xf32>,
        %get3A_210 = vector.shape_cast %get3A_209 : vector<16xf32> to vector<16xf32>
        %eq3A_211 = arith.constant 0.000000e+00 : f32
        %eq3A_212 = vector.broadcast %eq3A_211 : f32 to vector<16xf32>
        %eq3A_213 = arith.cmpf oeq, %get3A_210, %eq3A_212 : vector<16xf32>
        %mul3A_214 = arith.constant 5.000000e-01 : f32
        %mul3A_215 = vector.broadcast %mul3A_214 : f32 to vector<16xf32>
        %mul3A_216 = arith.mulf %mul3A_215, %get3A_191 : vector<16xf32>
        %mul3A_217 = arith.constant 1.500000e+00 : f32
        %mul3A_218 = vector.broadcast %mul3A_217 : f32 to vector<16xf32>
        %mul3A_219 = arith.mulf %mul3A_218, %get3A_196 : vector<16xf32>
        %sub3A_220 = arith.subf %mul3A_216, %mul3A_219 : vector<16xf32>
        %sub3A_221 = arith.subf %get3A_191, %get3A_196 : vector<16xf32>
        %select_n3A_222 = arith.select %eq3A_213, %sub3A_220, %sub3A_221 : vector<16xi1>, vector<16xf32>
        %sub3A_223 = arith.subf %get3A_203, %get3A_210 : vector<16xf32>
        %mul3A_224 = arith.mulf %select_n3A_222, %select_n3A_222 : vector<16xf32>
        %add3A_225 = arith.addf %add3A_184, %mul3A_224 : vector<16xf32>
        %mul3A_226 = arith.mulf %sub3A_223, %sub3A_223 : vector<16xf32>
        %add3A_227 = arith.addf %add3A_186, %mul3A_226 : vector<16xf32>
        %add3A_228 = arith.constant 64 : i32
        %add3A_229 = arith.addi %mul3A_67, %add3A_228 : i32
        %get3A_230 = arith.index_cast %add3A_229 : i32 to index
        %get3A_231 = tpu.vector_load %arg7[%get3A_230] {strides = array<i32>} : memref<16384xf32, #tpu.memory_space<vmem>>, vector<16xf32>,
        %get3A_232 = vector.shape_cast %get3A_231 : vector<16xf32> to vector<16xf32>
        %add3A_233 = arith.constant 64 : i32
        %add3A_234 = arith.addi %mul3A_67, %add3A_233 : i32
        %get3A_235 = arith.index_cast %add3A_234 : i32 to index
        %get3A_236 = tpu.vector_load %arg8[%get3A_235] {strides = array<i32>} : memref<16384xf32, #tpu.memory_space<vmem>>, vector<16xf32>,
        %get3A_237 = vector.shape_cast %get3A_236 : vector<16xf32> to vector<16xf32>
        %add3A_238 = arith.constant 128 : i32
        %add3A_239 = arith.addi %mul3A_67, %add3A_238 : i32
        %add3A_240 = arith.constant 64 : i32
        %add3A_241 = arith.addi %add3A_239, %add3A_240 : i32
        %get3A_242 = arith.index_cast %add3A_241 : i32 to index
        %get3A_243 = tpu.vector_load %arg7[%get3A_242] {strides = array<i32>} : memref<16384xf32, #tpu.memory_space<vmem>>, vector<16xf32>,
        %get3A_244 = vector.shape_cast %get3A_243 : vector<16xf32> to vector<16xf32>
        %add3A_245 = arith.constant 128 : i32
        %add3A_246 = arith.addi %mul3A_67, %add3A_245 : i32
        %add3A_247 = arith.constant 64 : i32
        %add3A_248 = arith.addi %add3A_246, %add3A_247 : i32
        %get3A_249 = arith.index_cast %add3A_248 : i32 to index
        %get3A_250 = tpu.vector_load %arg8[%get3A_249] {strides = array<i32>} : memref<16384xf32, #tpu.memory_space<vmem>>, vector<16xf32>,
        %get3A_251 = vector.shape_cast %get3A_250 : vector<16xf32> to vector<16xf32>
        %eq3A_252 = arith.constant 0.000000e+00 : f32
        %eq3A_253 = vector.broadcast %eq3A_252 : f32 to vector<16xf32>
        %eq3A_254 = arith.cmpf oeq, %get3A_251, %eq3A_253 : vector<16xf32>
        %mul3A_255 = arith.constant 5.000000e-01 : f32
        %mul3A_256 = vector.broadcast %mul3A_255 : f32 to vector<16xf32>
        %mul3A_257 = arith.mulf %mul3A_256, %get3A_232 : vector<16xf32>
        %mul3A_258 = arith.constant 1.500000e+00 : f32
        %mul3A_259 = vector.broadcast %mul3A_258 : f32 to vector<16xf32>
        %mul3A_260 = arith.mulf %mul3A_259, %get3A_237 : vector<16xf32>
        %sub3A_261 = arith.subf %mul3A_257, %mul3A_260 : vector<16xf32>
        %sub3A_262 = arith.subf %get3A_232, %get3A_237 : vector<16xf32>
        %select_n3A_263 = arith.select %eq3A_254, %sub3A_261, %sub3A_262 : vector<16xi1>, vector<16xf32>
        %sub3A_264 = arith.subf %get3A_244, %get3A_251 : vector<16xf32>
        %mul3A_265 = arith.mulf %select_n3A_263, %select_n3A_263 : vector<16xf32>
        %add3A_266 = arith.addf %add3A_225, %mul3A_265 : vector<16xf32>
        %mul3A_267 = arith.mulf %sub3A_264, %sub3A_264 : vector<16xf32>
        %add3A_268 = arith.addf %add3A_227, %mul3A_267 : vector<16xf32>
        %add3A_269 = arith.constant 80 : i32
        %add3A_270 = arith.addi %mul3A_67, %add3A_269 : i32
        %get3A_271 = arith.index_cast %add3A_270 : i32 to index
        %get3A_272 = tpu.vector_load %arg7[%get3A_271] {strides = array<i32>} : memref<16384xf32, #tpu.memory_space<vmem>>, vector<16xf32>,
        %get3A_273 = vector.shape_cast %get3A_272 : vector<16xf32> to vector<16xf32>
        %add3A_274 = arith.constant 80 : i32
        %add3A_275 = arith.addi %mul3A_67, %add3A_274 : i32
        %get3A_276 = arith.index_cast %add3A_275 : i32 to index
        %get3A_277 = tpu.vector_load %arg8[%get3A_276] {strides = array<i32>} : memref<16384xf32, #tpu.memory_space<vmem>>, vector<16xf32>,
        %get3A_278 = vector.shape_cast %get3A_277 : vector<16xf32> to vector<16xf32>
        %add3A_279 = arith.constant 128 : i32
        %add3A_280 = arith.addi %mul3A_67, %add3A_279 : i32
        %add3A_281 = arith.constant 80 : i32
        %add3A_282 = arith.addi %add3A_280, %add3A_281 : i32
        %get3A_283 = arith.index_cast %add3A_282 : i32 to index
        %get3A_284 = tpu.vector_load %arg7[%get3A_283] {strides = array<i32>} : memref<16384xf32, #tpu.memory_space<vmem>>, vector<16xf32>,
        %get3A_285 = vector.shape_cast %get3A_284 : vector<16xf32> to vector<16xf32>
        %add3A_286 = arith.constant 128 : i32
        %add3A_287 = arith.addi %mul3A_67, %add3A_286 : i32
        %add3A_288 = arith.constant 80 : i32
        %add3A_289 = arith.addi %add3A_287, %add3A_288 : i32
        %get3A_290 = arith.index_cast %add3A_289 : i32 to index
        %get3A_291 = tpu.vector_load %arg8[%get3A_290] {strides = array<i32>} : memref<16384xf32, #tpu.memory_space<vmem>>, vector<16xf32>,
        %get3A_292 = vector.shape_cast %get3A_291 : vector<16xf32> to vector<16xf32>
        %eq3A_293 = arith.constant 0.000000e+00 : f32
        %eq3A_294 = vector.broadcast %eq3A_293 : f32 to vector<16xf32>
        %eq3A_295 = arith.cmpf oeq, %get3A_292, %eq3A_294 : vector<16xf32>
        %mul3A_296 = arith.constant 5.000000e-01 : f32
        %mul3A_297 = vector.broadcast %mul3A_296 : f32 to vector<16xf32>
        %mul3A_298 = arith.mulf %mul3A_297, %get3A_273 : vector<16xf32>
        %mul3A_299 = arith.constant 1.500000e+00 : f32
        %mul3A_300 = vector.broadcast %mul3A_299 : f32 to vector<16xf32>
        %mul3A_301 = arith.mulf %mul3A_300, %get3A_278 : vector<16xf32>
        %sub3A_302 = arith.subf %mul3A_298, %mul3A_301 : vector<16xf32>
        %sub3A_303 = arith.subf %get3A_273, %get3A_278 : vector<16xf32>
        %select_n3A_304 = arith.select %eq3A_295, %sub3A_302, %sub3A_303 : vector<16xi1>, vector<16xf32>
        %sub3A_305 = arith.subf %get3A_285, %get3A_292 : vector<16xf32>
        %mul3A_306 = arith.mulf %select_n3A_304, %select_n3A_304 : vector<16xf32>
        %add3A_307 = arith.addf %add3A_266, %mul3A_306 : vector<16xf32>
        %mul3A_308 = arith.mulf %sub3A_305, %sub3A_305 : vector<16xf32>
        %add3A_309 = arith.addf %add3A_268, %mul3A_308 : vector<16xf32>
        %add3A_310 = arith.constant 96 : i32
        %add3A_311 = arith.addi %mul3A_67, %add3A_310 : i32
        %get3A_312 = arith.index_cast %add3A_311 : i32 to index
        %get3A_313 = tpu.vector_load %arg7[%get3A_312] {strides = array<i32>} : memref<16384xf32, #tpu.memory_space<vmem>>, vector<16xf32>,
        %get3A_314 = vector.shape_cast %get3A_313 : vector<16xf32> to vector<16xf32>
        %add3A_315 = arith.constant 96 : i32
        %add3A_316 = arith.addi %mul3A_67, %add3A_315 : i32
        %get3A_317 = arith.index_cast %add3A_316 : i32 to index
        %get3A_318 = tpu.vector_load %arg8[%get3A_317] {strides = array<i32>} : memref<16384xf32, #tpu.memory_space<vmem>>, vector<16xf32>,
        %get3A_319 = vector.shape_cast %get3A_318 : vector<16xf32> to vector<16xf32>
        %add3A_320 = arith.constant 128 : i32
        %add3A_321 = arith.addi %mul3A_67, %add3A_320 : i32
        %add3A_322 = arith.constant 96 : i32
        %add3A_323 = arith.addi %add3A_321, %add3A_322 : i32
        %get3A_324 = arith.index_cast %add3A_323 : i32 to index
        %get3A_325 = tpu.vector_load %arg7[%get3A_324] {strides = array<i32>} : memref<16384xf32, #tpu.memory_space<vmem>>, vector<16xf32>,
        %get3A_326 = vector.shape_cast %get3A_325 : vector<16xf32> to vector<16xf32>
        %add3A_327 = arith.constant 128 : i32
        %add3A_328 = arith.addi %mul3A_67, %add3A_327 : i32
        %add3A_329 = arith.constant 96 : i32
        %add3A_330 = arith.addi %add3A_328, %add3A_329 : i32
        %get3A_331 = arith.index_cast %add3A_330 : i32 to index
        %get3A_332 = tpu.vector_load %arg8[%get3A_331] {strides = array<i32>} : memref<16384xf32, #tpu.memory_space<vmem>>, vector<16xf32>,
        %get3A_333 = vector.shape_cast %get3A_332 : vector<16xf32> to vector<16xf32>
        %eq3A_334 = arith.constant 0.000000e+00 : f32
        %eq3A_335 = vector.broadcast %eq3A_334 : f32 to vector<16xf32>
        %eq3A_336 = arith.cmpf oeq, %get3A_333, %eq3A_335 : vector<16xf32>
        %mul3A_337 = arith.constant 5.000000e-01 : f32
        %mul3A_338 = vector.broadcast %mul3A_337 : f32 to vector<16xf32>
        %mul3A_339 = arith.mulf %mul3A_338, %get3A_314 : vector<16xf32>
        %mul3A_340 = arith.constant 1.500000e+00 : f32
        %mul3A_341 = vector.broadcast %mul3A_340 : f32 to vector<16xf32>
        %mul3A_342 = arith.mulf %mul3A_341, %get3A_319 : vector<16xf32>
        %sub3A_343 = arith.subf %mul3A_339, %mul3A_342 : vector<16xf32>
        %sub3A_344 = arith.subf %get3A_314, %get3A_319 : vector<16xf32>
        %select_n3A_345 = arith.select %eq3A_336, %sub3A_343, %sub3A_344 : vector<16xi1>, vector<16xf32>
        %sub3A_346 = arith.subf %get3A_326, %get3A_333 : vector<16xf32>
        %mul3A_347 = arith.mulf %select_n3A_345, %select_n3A_345 : vector<16xf32>
        %add3A_348 = arith.addf %add3A_307, %mul3A_347 : vector<16xf32>
        %mul3A_349 = arith.mulf %sub3A_346, %sub3A_346 : vector<16xf32>
        %add3A_350 = arith.addf %add3A_309, %mul3A_349 : vector<16xf32>
        %add3A_351 = arith.constant 112 : i32
        %add3A_352 = arith.addi %mul3A_67, %add3A_351 : i32
        %get3A_353 = arith.index_cast %add3A_352 : i32 to index
        %get3A_354 = tpu.vector_load %arg7[%get3A_353] {strides = array<i32>} : memref<16384xf32, #tpu.memory_space<vmem>>, vector<16xf32>,
        %get3A_355 = vector.shape_cast %get3A_354 : vector<16xf32> to vector<16xf32>
        %add3A_356 = arith.constant 112 : i32
        %add3A_357 = arith.addi %mul3A_67, %add3A_356 : i32
        %get3A_358 = arith.index_cast %add3A_357 : i32 to index
        %get3A_359 = tpu.vector_load %arg8[%get3A_358] {strides = array<i32>} : memref<16384xf32, #tpu.memory_space<vmem>>, vector<16xf32>,
        %get3A_360 = vector.shape_cast %get3A_359 : vector<16xf32> to vector<16xf32>
        %add3A_361 = arith.constant 128 : i32
        %add3A_362 = arith.addi %mul3A_67, %add3A_361 : i32
        %add3A_363 = arith.constant 112 : i32
        %add3A_364 = arith.addi %add3A_362, %add3A_363 : i32
        %get3A_365 = arith.index_cast %add3A_364 : i32 to index
        %get3A_366 = tpu.vector_load %arg7[%get3A_365] {strides = array<i32>} : memref<16384xf32, #tpu.memory_space<vmem>>, vector<16xf32>,
        %get3A_367 = vector.shape_cast %get3A_366 : vector<16xf32> to vector<16xf32>
        %add3A_368 = arith.constant 128 : i32
        %add3A_369 = arith.addi %mul3A_67, %add3A_368 : i32
        %add3A_370 = arith.constant 112 : i32
        %add3A_371 = arith.addi %add3A_369, %add3A_370 : i32
        %get3A_372 = arith.index_cast %add3A_371 : i32 to index
        %get3A_373 = tpu.vector_load %arg8[%get3A_372] {strides = array<i32>} : memref<16384xf32, #tpu.memory_space<vmem>>, vector<16xf32>,
        %get3A_374 = vector.shape_cast %get3A_373 : vector<16xf32> to vector<16xf32>
        %eq3A_375 = arith.constant 0.000000e+00 : f32
        %eq3A_376 = vector.broadcast %eq3A_375 : f32 to vector<16xf32>
        %eq3A_377 = arith.cmpf oeq, %get3A_374, %eq3A_376 : vector<16xf32>
        %mul3A_378 = arith.constant 5.000000e-01 : f32
        %mul3A_379 = vector.broadcast %mul3A_378 : f32 to vector<16xf32>
        %mul3A_380 = arith.mulf %mul3A_379, %get3A_355 : vector<16xf32>
        %mul3A_381 = arith.constant 1.500000e+00 : f32
        %mul3A_382 = vector.broadcast %mul3A_381 : f32 to vector<16xf32>
        %mul3A_383 = arith.mulf %mul3A_382, %get3A_360 : vector<16xf32>
        %sub3A_384 = arith.subf %mul3A_380, %mul3A_383 : vector<16xf32>
        %sub3A_385 = arith.subf %get3A_355, %get3A_360 : vector<16xf32>
        %select_n3A_386 = arith.select %eq3A_377, %sub3A_384, %sub3A_385 : vector<16xi1>, vector<16xf32>
        %sub3A_387 = arith.subf %get3A_367, %get3A_374 : vector<16xf32>
        %mul3A_388 = arith.mulf %select_n3A_386, %select_n3A_386 : vector<16xf32>
        %add3A_389 = arith.addf %add3A_348, %mul3A_388 : vector<16xf32>
        %mul3A_390 = arith.mulf %sub3A_387, %sub3A_387 : vector<16xf32>
        %add3A_391 = arith.addf %add3A_350, %mul3A_390 : vector<16xf32>
        scf.yield %add3A_389, %add3A_391 : vector<16xf32>, vector<16xf32>
      }
      %scan3A_57 = arith.constant 64 : i32
      %lt3A_58 = arith.constant 2 : i32
      %lt3A_59 = arith.cmpi slt, %scan3A_26, %lt3A_58 : i32
      %convert_element_type3A_60 = arith.extui %lt3A_59 : i1 to i32
      %cond3A_61 = arith.constant 0 : i32
      %cond3A_62 = arith.cmpi ne, %convert_element_type3A_60, %cond3A_61 : i32
      scf.if %cond3A_62 {
        %mul3A_63 = arith.constant 2 : i32
        %mul3A_64 = arith.muli %mul3A_63, %scan3A_26 : i32
        %add3A_65 = arith.constant 3 : i32
        %add3A_66 = arith.addi %mul3A_64, %add3A_65 : i32
        %mul3A_67 = arith.constant 16384 : i32
        %mul3A_68 = arith.muli %add3A_66, %mul3A_67 : i32
        %add3A_69 = arith.addi %add3A_4, %mul3A_68 : i32
        %dma_start3A_70 = tpu.memref_slice %arg2[%add3A_69] : memref<8388608xf32, #tpu.memory_space<hbm>> -> memref<16384xf32, #tpu.memory_space<hbm>>
        %dma_start3A_71 = tpu.memref_slice %arg2[%add3A_69] : memref<8388608xf32, #tpu.memory_space<hbm>> -> memref<16384xf32, #tpu.memory_space<hbm>>
        tpu.enqueue_dma source(%dma_start3A_71 : memref<16384xf32, #tpu.memory_space<hbm>>) target(%arg7 : memref<16384xf32, #tpu.memory_space<vmem>>) target_semaphore(%arg11 : memref<!tpu.dma_semaphore, #tpu.memory_space<semaphore_mem>>)
        %dma_start3A_72 = tpu.memref_slice %arg3[%add3A_69] : memref<8388608xf32, #tpu.memory_space<hbm>> -> memref<16384xf32, #tpu.memory_space<hbm>>
        %dma_start3A_73 = tpu.memref_slice %arg3[%add3A_69] : memref<8388608xf32, #tpu.memory_space<hbm>> -> memref<16384xf32, #tpu.memory_space<hbm>>
        tpu.enqueue_dma source(%dma_start3A_73 : memref<16384xf32, #tpu.memory_space<hbm>>) target(%arg8 : memref<16384xf32, #tpu.memory_space<vmem>>) target_semaphore(%arg11 : memref<!tpu.dma_semaphore, #tpu.memory_space<semaphore_mem>>)
      } else {
      }
      scf.yield %scan3A_56#0, %scan3A_56#1 : vector<16xf32>, vector<16xf32>
    }
    %scan3A_21 = arith.constant 3 : i32
    %add3A_22 = arith.addf %scan3A_20#0, %scan3A_20#1 : vector<16xf32>
    %swap3A = arith.constant 0 : index
    %swap3A_23 = tpu.vector_load %arg9[%swap3A] {strides = array<i32>} : memref<16xf32, #tpu.memory_space<vmem>>, vector<16xf32>,
    %swap3A_24 = vector.shape_cast %swap3A_23 : vector<16xf32> to vector<16xf32>
    %swap3A_25 = vector.shape_cast %add3A_22 : vector<16xf32> to vector<16xf32>
    tpu.vector_store %arg9[%swap3A], %swap3A_25 {strides = array<i32>} : memref<16xf32, #tpu.memory_space<vmem>>, vector<16xf32>,
    "tpu.region"() ({
      %run_scoped3A = tpu.sem_alloc : memref<!tpu.dma_semaphore, #tpu.memory_space<semaphore_mem>>
      %dma_start3A_26 = arith.constant 0 : i32
      %dma_start3A_27 = tpu.memref_slice %arg4[%add3A, %dma_start3A_26] : memref<32x16xf32, #tpu.memory_space<hbm>> -> memref<1x16xf32, #tpu.memory_space<hbm>>
      %dma_start3A_28 = tpu.memref_squeeze %dma_start3A_27 : memref<1x16xf32, #tpu.memory_space<hbm>> -> memref<16xf32, #tpu.memory_space<hbm>>
      %dma_start3A_29 = arith.constant 0 : i32
      %dma_start3A_30 = tpu.memref_slice %arg4[%add3A, %dma_start3A_29] : memref<32x16xf32, #tpu.memory_space<hbm>> -> memref<1x16xf32, #tpu.memory_space<hbm>>
      %dma_start3A_31 = tpu.memref_squeeze %dma_start3A_30 : memref<1x16xf32, #tpu.memory_space<hbm>> -> memref<16xf32, #tpu.memory_space<hbm>>
      tpu.enqueue_dma source(%arg9 : memref<16xf32, #tpu.memory_space<vmem>>) target(%dma_start3A_31 : memref<16xf32, #tpu.memory_space<hbm>>) target_semaphore(%run_scoped3A : memref<!tpu.dma_semaphore, #tpu.memory_space<semaphore_mem>>)
      %dma_wait3A = arith.constant 0 : i32
      %dma_wait3A_32 = tpu.memref_slice %arg4[%add3A, %dma_wait3A] : memref<32x16xf32, #tpu.memory_space<hbm>> -> memref<1x16xf32, #tpu.memory_space<hbm>>
      %dma_wait3A_33 = tpu.memref_squeeze %dma_wait3A_32 : memref<1x16xf32, #tpu.memory_space<hbm>> -> memref<16xf32, #tpu.memory_space<hbm>>
      %dma_wait3A_34 = arith.constant 0 : i32
      %dma_wait3A_35 = tpu.memref_slice %arg4[%add3A, %dma_wait3A_34] : memref<32x16xf32, #tpu.memory_space<hbm>> -> memref<1x16xf32, #tpu.memory_space<hbm>>
      %dma_wait3A_36 = tpu.memref_squeeze %dma_wait3A_35 : memref<1x16xf32, #tpu.memory_space<hbm>> -> memref<16xf32, #tpu.memory_space<hbm>>
      tpu.wait_dma2 semaphore(%run_scoped3A : memref<!tpu.dma_semaphore, #tpu.memory_space<semaphore_mem>>) src(%arg9 : memref<16xf32, #tpu.memory_space<vmem>>) dst(%dma_wait3A_36 : memref<16xf32, #tpu.memory_space<hbm>>)
      tpu.yield
    }) : () -> ()
    return
  }
}

module attributes {stable_mosaic.version = 14 : i64} {
  func.func @_tc_body(%arg0: i32, %arg1: memref<8192x128xf32, #tpu.memory_space<vmem>>, %arg2: memref<8192x128xf32, #tpu.memory_space<vmem>>, %arg3: memref<1x1xf32, #tpu.memory_space<smem>>, %arg4: memref<8x128xf32, #tpu.memory_space<vmem>>) attributes {dimension_semantics = [#tpu.dimension_semantics<arbitrary>], iteration_bounds = array<i64: 5>, scalar_prefetch = 0 : i64, scratch_operands = 1 : i64, tpu.core_type = #tpu.core_type<tc>, window_params = [{transform_indices = @transform_0, window_bounds = array<i64: 8192, 128>}, {transform_indices = @transform_1, window_bounds = array<i64: 8192, 128>}, {transform_indices = @transform_2, window_bounds = array<i64: 1, 1>}]} {
    %eq3A = arith.constant 0 : i32
    %eq3A_0 = arith.cmpi eq, %arg0, %eq3A : i32
    %convert_element_type3A = arith.extui %eq3A_0 : i1 to i32
    %cond3A = arith.constant 0 : i32
    %cond3A_1 = arith.cmpi ne, %convert_element_type3A, %cond3A : i32
    scf.if %cond3A_1 {
      %broadcast_in_dim3A = arith.constant 0.000000e+00 : f32
      %broadcast_in_dim3A_35 = vector.broadcast %broadcast_in_dim3A : f32 to vector<8x128xf32>
      %swap3A_36 = arith.constant 0 : index
      %swap3A_37 = arith.constant 0 : index
      %swap3A_38 = vector.load %arg4[%swap3A_36, %swap3A_37] : memref<8x128xf32, #tpu.memory_space<vmem>>, vector<8x128xf32>
      tpu.vector_store %arg4[%swap3A_36, %swap3A_37], %broadcast_in_dim3A_35 {strides = array<i32>} : memref<8x128xf32, #tpu.memory_space<vmem>>, vector<8x128xf32>,
    } else {
    }
    %get3A = arith.constant 0 : index
    %get3A_2 = arith.constant 0 : index
    %get3A_3 = vector.load %arg1[%get3A, %get3A_2] : memref<8192x128xf32, #tpu.memory_space<vmem>>, vector<8192x128xf32>
    %get3A_4 = arith.constant 0 : index
    %get3A_5 = arith.constant 0 : index
    %get3A_6 = vector.load %arg2[%get3A_4, %get3A_5] : memref<8192x128xf32, #tpu.memory_space<vmem>>, vector<8192x128xf32>
    %slice3A = vector.extract_strided_slice %get3A_6 {offsets = [1, 0], sizes = [8191, 128], strides = [1, 1]} : vector<8192x128xf32> to vector<8191x128xf32>
    %slice3A_7 = vector.extract_strided_slice %get3A_6 {offsets = [0, 0], sizes = [1, 128], strides = [1, 1]} : vector<8192x128xf32> to vector<1x128xf32>
    %concatenate3A = tpu.concatenate %slice3A, %slice3A_7 in 0 : vector<8191x128xf32>, vector<1x128xf32> -> vector<8192x128xf32>
    %iota3A = tpu.iota {dimensions = array<i32: 0>} : vector<8192x128xi32>
    %and3A = arith.constant 1 : i32
    %and3A_8 = vector.broadcast %and3A : i32 to vector<8192x128xi32>
    %and3A_9 = arith.andi %iota3A, %and3A_8 : vector<8192x128xi32>
    %eq3A_10 = arith.constant 0 : i32
    %eq3A_11 = vector.broadcast %eq3A_10 : i32 to vector<8192x128xi32>
    %eq3A_12 = arith.cmpi eq, %and3A_9, %eq3A_11 : vector<8192x128xi32>
    %eq3A_13 = arith.constant 0.000000e+00 : f32
    %eq3A_14 = vector.broadcast %eq3A_13 : f32 to vector<8192x128xf32>
    %eq3A_15 = arith.cmpf oeq, %concatenate3A, %eq3A_14 : vector<8192x128xf32>
    %and3A_16 = arith.andi %eq3A_12, %eq3A_15 : vector<8192x128xi1>
    %mul3A = arith.constant 5.000000e-01 : f32
    %mul3A_17 = vector.broadcast %mul3A : f32 to vector<8192x128xf32>
    %mul3A_18 = arith.mulf %mul3A_17, %get3A_3 : vector<8192x128xf32>
    %mul3A_19 = arith.constant 1.500000e+00 : f32
    %mul3A_20 = vector.broadcast %mul3A_19 : f32 to vector<8192x128xf32>
    %mul3A_21 = arith.mulf %mul3A_20, %get3A_6 : vector<8192x128xf32>
    %sub3A = arith.subf %mul3A_18, %mul3A_21 : vector<8192x128xf32>
    %sub3A_22 = arith.subf %get3A_3, %get3A_6 : vector<8192x128xf32>
    %select_n3A = arith.select %and3A_16, %sub3A, %sub3A_22 : vector<8192x128xi1>, vector<8192x128xf32>
    %mul3A_23 = arith.mulf %select_n3A, %select_n3A : vector<8192x128xf32>
    %get3A_24 = arith.constant 0 : index
    %get3A_25 = arith.constant 0 : index
    %get3A_26 = vector.load %arg4[%get3A_24, %get3A_25] : memref<8x128xf32, #tpu.memory_space<vmem>>, vector<8x128xf32>
    %reshape3A = vector.shape_cast %mul3A_23 : vector<8192x128xf32> to vector<1024x8x128xf32>
    %reduce_sum3A = arith.constant dense<0.000000e+00> : vector<8x128xf32>
    %reduce_sum3A_27 = vector.multi_reduction <add>, %reshape3A, %reduce_sum3A [0] : vector<1024x8x128xf32> to vector<8x128xf32>
    %add3A = arith.addf %get3A_26, %reduce_sum3A_27 : vector<8x128xf32>
    %swap3A = arith.constant 0 : index
    %swap3A_28 = arith.constant 0 : index
    %swap3A_29 = vector.load %arg4[%swap3A, %swap3A_28] : memref<8x128xf32, #tpu.memory_space<vmem>>, vector<8x128xf32>
    tpu.vector_store %arg4[%swap3A, %swap3A_28], %add3A {strides = array<i32>} : memref<8x128xf32, #tpu.memory_space<vmem>>, vector<8x128xf32>,
    %eq3A_30 = arith.constant 4 : i32
    %eq3A_31 = arith.cmpi eq, %arg0, %eq3A_30 : i32
    %convert_element_type3A_32 = arith.extui %eq3A_31 : i1 to i32
    %cond3A_33 = arith.constant 0 : i32
    %cond3A_34 = arith.cmpi ne, %convert_element_type3A_32, %cond3A_33 : i32
    scf.if %cond3A_34 {
      %get3A_35 = arith.constant 0 : index
      %get3A_36 = arith.constant 0 : index
      %get3A_37 = vector.load %arg4[%get3A_35, %get3A_36] : memref<8x128xf32, #tpu.memory_space<vmem>>, vector<8x128xf32>
      %reduce_sum3A_38 = vector.shape_cast %get3A_37 : vector<8x128xf32> to vector<1x8x128xf32>
      %reduce_sum3A_39 = arith.constant dense<0.000000e+00> : vector<1xf32>
      %reduce_sum3A_40 = vector.multi_reduction <add>, %reduce_sum3A_38, %reduce_sum3A_39 [1, 2] : vector<1x8x128xf32> to vector<1xf32>
      %reduce_sum3A_41 = vector.shape_cast %reduce_sum3A_40 : vector<1xf32> to vector<1x1x1xf32>
      %reduce_sum3A_42 = vector.extract %reduce_sum3A_41[0, 0, 0] : f32 from vector<1x1x1xf32>
      %swap3A_43 = arith.constant 0 : index
      %swap3A_44 = arith.constant 0 : index
      %swap3A_45 = memref.load %arg3[%swap3A_43, %swap3A_44] : memref<1x1xf32, #tpu.memory_space<smem>>
      memref.store %reduce_sum3A_42, %arg3[%swap3A_43, %swap3A_44] : memref<1x1xf32, #tpu.memory_space<smem>>
    } else {
    }
    return
  }
  func.func @transform_0(%arg0: i32) -> (i32, i32) {
    %c0_i32 = arith.constant 0 : i32
    %c0_i32_0 = arith.constant 0 : i32
    return %arg0, %c0_i32 : i32, i32
  }
  func.func @transform_1(%arg0: i32) -> (i32, i32) {
    %c0_i32 = arith.constant 0 : i32
    %c0_i32_0 = arith.constant 0 : i32
    return %arg0, %c0_i32 : i32, i32
  }
  func.func @transform_2(%arg0: i32) -> (i32, i32) {
    %c0_i32 = arith.constant 0 : i32
    %c0_i32_0 = arith.constant 0 : i32
    %c0_i32_1 = arith.constant 0 : i32
    return %c0_i32, %c0_i32_0 : i32, i32
  }
}

</mosaic_0001>

<sc_bundles>
// kernel: kernel.4.cloned.1.call-start
scs
__scs_entry_jumppad:
0x0: {  	(pc) =	sbr.rel $0x88, $3  }
0x1: {  	(tag) =	ssettag $0x0;
	lr =	simm.s32 $0x1  }
0x2: {  	[smem:$0x3F9F] =	sst lr;
	_ =	strace $0xD0000000  }
0x3: {  	_ = 	snop  }
0x4: {  	_ = 	snop  }
0x5: {  	_ = 	snop  }
0x6: {  	_ = 	snop  }
0x7: {  	_ = 	snop  }
__scs_overlays_trampoline_lowered:
0x8: {  	[smem:$0x3FAE] =	sst s0  }
0x9: {  	[smem:$0x3FAF] =	sst s1  }
0xa: {  	[smem:$0x3FB0] =	sst s2  }
0xb: {  	[smem:$0x3FB1] =	sst s3  }
0xc: {  	[smem:$0x3FB2] =	sst s4  }
0xd: {  	[smem:$0x3FB3] =	sst s5  }
0xe: {  	[smem:$0x3FB4] =	sst s6  }
0xf: {  	[smem:$0x3FB5] =	sst s7  }
0x10: {  	[smem:$0x3FB6] =	sst s8  }
0x11: {  	[smem:$0x3FB7] =	sst s9;
	s0 =	simm.s32 @!p0 $0x0  }
0x12: {  	s1 =	sld [smem:$0x3F9D];
	s0 =	simm.s32 @p0 $0x1  }
0x13: {  	[smem:$0x3FB8] =	sst s0;
	s0 =	simm.s32 @!p1 $0x0  }
0x14: {  	s2 =	sld [smem:$0x3F9C];
	s0 =	simm.s32 @p1 $0x1  }
0x15: {  	[smem:$0x3FB9] =	sst s0;
	s0 =	simm.s32 @!p2 $0x0  }
0x16: {  	s3 =	sld [smem:$0x3FDB];
	s0 =	simm.s32 @p2 $0x1  }
0x17: {  	s4 =	simm.s32 $0x1BF5;
	[smem:$0x3FBB] =	sst s0  }
0x18: {  	s0 =	sld [smem:$0x3F9E];
	_ =	swait.ge [sflag:s4], $0x0  }
0x19: {  	s7 =	sld [smem:$0x3F9F]  }
0x1a: {  	s8 =	sadd.s32 $0xFFFFE003, lr  }
0x1b: {  	s9 =	sadd.s32 $0xFFFFFEF7, lr;
	s5 =	simm.s32 $0xFFFFFFFF;
	p2 =	slt.u32 s8, $0xFFFFF086  }
0x1c: {  	p1 =	slt.u32 s9, $0xF7A;
	s5 =	simm.s32 @!p2 $0x0  }
0x1d: {  	s5 =	simm.s32 @p1 $0x1;
	p0 =	seq.s32 s7, s2  }
0x1e: {  	s7 =	smul.u32 @!p0 $0xF7A, s2;
	p2 =	seq.s32 @!p0 s5, $0x0  }
0x1f: {  	s9 =	smul.u32 $0xF7A, s1;
	s8 =	simm.s32 @!p0 $0x1BF5;
	p2 =	por !p2, p0  }
0x20: {  	[sflag:s8] =	ssyncset.s32 @!p0 $0xFFFFF086;
	s6 =	sadd.s32 @!p0 s3, s7;
	s7 =	simm.s32 @!p0 $0x108  }
0x21: {  	s3 =	sadd.s32 s3, s9;
	s6 =	sadd.s32 @!p0 $0x88, s6;
	s7 =	simm.s32 @p2 $0x1082  }
0x22: {  	[simem:s7], [sflag:s8] =	dma.local @!p0 [hbm:s6], $0xF7A  }
0x23: {  	s9 =	sor.u32 $0xD0000000, s2;
	s6 =	simm.s32 $0x108;
	_ =	swait.ge @!p0 [sflag:s8], $0x0  }
0x24: {  	s3 =	sadd.s32 $0x88, s3;
	s6 =	simm.s32 @!p1 $0x1082;
	[sflag:s4] =	ssyncset.s32 $0xFFFFF086  }
0x25: {  	[simem:s6], [sflag:s4] =	dma.local [hbm:s3], $0xF7A  }
0x26: {  	[smem:$0x3F9F] =	sst s1;
	(tag) =	ssettag s2;
	_ =	strace s9  }
0x27: {  	s1 =	sld [smem:$0x3FAF]  }
0x28: {  	s2 =	sld [smem:$0x3FB0]  }
0x29: {  	s4 =	sld [smem:$0x3FB2]  }
0x2a: {  	p0 =	seq.s32 s5, $0x0;
	s5 =	sld [smem:$0x3FB3]  }
0x2b: {  	s6 =	sld [smem:$0x3FB4]  }
0x2c: {  	s7 =	sld [smem:$0x3FB5]  }
0x2d: {  	s3 =	simm.s32 $0x108;
	s8 =	sld [smem:$0x3FB6]  }
0x2e: {  	s3 =	simm.s32 @!p0 $0x1082;
	s9 =	sld [smem:$0x3FB7]  }
0x2f: {  	lr =	sadd.s32 s0, s3;
	s0 =	sld [smem:$0x3FAE]  }
0x30: {  	s3 =	sld [smem:$0x3FB1]  }
0x31: {  	[smem:$0x3FBA] =	sst s10  }
0x32: {  	s10 =	sld [smem:$0x3FB8];
	_ =	sdelay $0x3  }
0x33: {  	p0 =	seq.s32 s10, $0x1;
	s10 =	sld [smem:$0x3FBA];
	_ =	sdelay $0x3  }
0x34: {  	[smem:$0x3FBA] =	sst s10  }
0x35: {  	s10 =	sld [smem:$0x3FB9];
	_ =	sdelay $0x3  }
0x36: {  	p1 =	seq.s32 s10, $0x1;
	s10 =	sld [smem:$0x3FBA];
	_ =	sdelay $0x3  }
0x37: {  	[smem:$0x3FBA] =	sst s10  }
0x38: {  	s10 =	sld [smem:$0x3FBB]  }
0x39: {  	_ = 	snop;
	(pc) =	sbr.ind lr, $3  }
0x3a: {  	_ = 	snop  }
0x3b: {  	_ = 	snop  }
0x3c: {  	p2 =	seq.s32 s10, $0x1;
	s10 =	sld [smem:$0x3FBA]  }
0x3d: {  	_ =	shalt  }
0x3e: {  	_ =	shalt  }
0x3f: {  	_ =	shalt  }
0x40: {  	_ =	shalt  }
0x41: {  	_ =	shalt  }
0x42: {  	_ =	shalt  }
0x43: {  	_ =	shalt  }
0x44: {  	_ =	shalt  }
0x45: {  	_ =	shalt  }
0x46: {  	_ =	shalt  }
0x47: {  	_ =	shalt  }
0x48: {  	_ =	shalt  }
0x49: {  	_ =	shalt  }
0x4a: {  	_ =	shalt  }
0x4b: {  	_ =	shalt  }
0x4c: {  	_ =	shalt  }
0x4d: {  	_ =	shalt  }
0x4e: {  	_ =	shalt  }
0x4f: {  	_ =	shalt  }
0x50: {  	_ =	shalt  }
0x51: {  	_ =	shalt  }
0x52: {  	_ =	shalt  }
0x53: {  	_ =	shalt  }
0x54: {  	_ =	shalt  }
0x55: {  	_ =	shalt  }
0x56: {  	_ =	shalt  }
0x57: {  	_ =	shalt  }
0x58: {  	_ =	shalt  }
0x59: {  	_ =	shalt  }
0x5a: {  	_ =	shalt  }
0x5b: {  	_ =	shalt  }
0x5c: {  	_ =	shalt  }
0x5d: {  	_ =	shalt  }
0x5e: {  	_ =	shalt  }
0x5f: {  	_ =	shalt  }
0x60: {  	_ =	shalt  }
0x61: {  	_ =	shalt  }
0x62: {  	_ =	shalt  }
0x63: {  	_ =	shalt  }
0x64: {  	_ =	shalt  }
0x65: {  	_ =	shalt  }
0x66: {  	_ =	shalt  }
0x67: {  	_ =	shalt  }
0x68: {  	_ =	shalt  }
0x69: {  	_ =	shalt  }
0x6a: {  	_ =	shalt  }
0x6b: {  	_ =	shalt  }
0x6c: {  	_ =	shalt  }
0x6d: {  	_ =	shalt  }
0x6e: {  	_ =	shalt  }
0x6f: {  	_ =	shalt  }
0x70: {  	_ =	shalt  }
0x71: {  	_ =	shalt  }
0x72: {  	_ =	shalt  }
0x73: {  	_ =	shalt  }
0x74: {  	_ =	shalt  }
0x75: {  	_ =	shalt  }
0x76: {  	_ =	shalt  }
0x77: {  	_ =	shalt  }
0x78: {  	_ =	shalt  }
0x79: {  	_ =	shalt  }
0x7a: {  	_ =	shalt  }
0x7b: {  	_ =	shalt  }
0x7c: {  	_ =	shalt  }
0x7d: {  	_ =	shalt  }
0x7e: {  	_ =	shalt  }
0x7f: {  	_ =	shalt  }
0x80: {  	_ =	shalt  }
0x81: {  	_ =	shalt  }
0x82: {  	_ =	shalt  }
0x83: {  	_ =	shalt  }
0x84: {  	_ =	shalt  }
0x85: {  	_ =	shalt  }
0x86: {  	_ =	shalt  }
0x87: {  	_ =	shalt  }
.Lfunc_end0:
.L_simem_size_0:
called_computation_lowered:
.L_overlay_start_0:
0x88: {  	s2 =	sld [smem:$0x3FD9]  }
0x89: {  	s3 =	sld [smem:$0x3FFE];
	_ =	sdelay $0x1  }
0x8a: {  	s1 =	srdreg.scid  }
0x8b: {  	s0 =	sand.u32 $0x1, s1  }
0x8c: {  	s17 =	sshll.u32 s0, $0xA;
	s2 =	sadd.s32 s3, s2  }
0x8d: {  	s2 =	sadd.s32 s2, s17  }
0x8e: {  	[smem:$0x3FC6] =	sst s2  }
0x8f: {  	_ = 	snop  }
0x90: {  	s2 =	sld [smem:$0x3FC9]  }
0x91: {  	s18 =	sld [smem:$0x3FC8];
	(tm) =	ssettm $0x1  }
0x92: {  	s4 =	sld [smem:$0x3FFB];
	_ =	sdelay $0x3  }
0x93: {  	_ =	strace s4  }
0x94: {  	s4 =	sld [smem:$0x3FFC];
	_ =	sdelay $0x3  }
0x95: {  	_ =	strace s4  }
0x96: {  	s4 =	sld [smem:$0x3FFD];
	_ =	sdelay $0x3  }
0x97: {  	_ =	strace s4  }
0x98: {  	_ =	strace $0x8FFFFFFF  }
0x99: {  	s19 =	sld [smem:$0x3FDB];
	_ =	sdelay $0x1  }
0x9a: {  	s5 =	simm.s32 $_scs_section_size  }
0x9b: {  	s6 =	simm.s32 $_size__tile_overlayer_lowered;
	s7 =	simm.s32 $_tile_overlayer_lowered  }
0x9c: {  	s22 =	simm.s32 $0x1BFF;
	s21 =	sshll.u32 s7, $0x1;
	s4 =	sadd.s32 s5, s19  }
0x9d: {  	s8 =	simm.s32 $0x0;
	s20 =	sshll.u32 s6, $0x1;
	s6 =	sadd.s32 s21, s4  }
0x9e: {  	[timem:s8], [sflag:s22] =	dma.local [hbm:s6], s20  }
0x9f: {  	_ =	swait.ge [sflag:s22], s20  }
0xa0: {  	s5 =	ssub.s32 $0x0, s20;
	[sflag:s22] =	ssyncset.done $0x0  }
0xa1: {  	[sflag:s22] =	ssyncadd.s32 s5;
	_ =	sdelay $0x1  }
0xa2: {  	s23 =	simm.s32 $0x1B8B  }
0xa3: {  	_ =	swait.ge [sflag:s23], $0x1  }
0xa4: {  	[sflag:s23] =	ssyncset.done $0x0  }
0xa5: {  	s25 =	simm.s32 $0x1B8E;
	s24 =	sld [smem:$0x3FFE];
	[sflag:s23] =	ssyncadd.s32 $0xFFFFFFFF  }
0xa6: {  	s26 =	simm.s32 $execute0_lowered;
	[smem:$0x3FD2] =	sst s25  }
0xa7: {  	s6 =	sshll.u32 s26, $0x1;
	_ =	strace $0x80000046;
	[dreg:$0x1] =	wrdreg $0xFFFFFFFF  }
0xa8: {  	s28 =	simm.s32 $_size_execute0_lowered;
	s4 =	sadd.s32 s4, s6;
	[dreg:$0x0] =	wrdreg $0x0  }
0xa9: {  	s6 =	sshll.u32 s28, $0x1;
	[dreg:$0x2] =	wrdreg s4  }
0xaa: {  	[dreg:$0x3] =	wrdreg s6  }
0xab: {  	[dreg:$0x4] =	wrdreg $0xC0  }
0xac: {  	_ =	task [dreg:s8], $0x5FFFF  }
0xad: {  	[dreg:$0x1] =	wrdreg $0xFFFFFFFF  }
0xae: {  	[dreg:$0x0] =	wrdreg $0x60  }
0xaf: {  	[dreg:$0x2] =	wrdreg s2  }
0xb0: {  	[dreg:$0x3] =	wrdreg s18  }
0xb1: {  	[dreg:$0x4] =	wrdreg s24  }
0xb2: {  	[dreg:$0x5] =	wrdreg $0x9  }
0xb3: {  	_ =	task.clear_ibuf [dreg:s8], $0x6FFFF;
	_ =	strace $0x90000046  }
0xb4: {  	s29 =	simm.s32 $0x9;
	_ =	strace $0x80000048  }
0xb5: {  	_ =	swait.ge [sflag:s29], $0x1  }
0xb6: {  	[sflag:s29] =	ssyncadd.s32 $0xFFFFFFFF  }
0xb7: {  	_ =	strace $0x90000048  }
0xb8: {  	_ =	sfence  }
0xb9: {  	s30 =	sld [smem:$0x0];
	_ =	sdelay $0x2  }
0xba: {  	s31 =	sshll.u32 s1, $0xD;
	s1 =	sshrl.u32 s1, $0x2  }
0xbb: {  	s3 =	sand.u32 $0x4000, s31;
	s1 =	sadd.s32 s1, s30  }
0xbc: {  	s0 =	sor.u32 s3, s0;
	s1 =	sshll.u32 s1, $0x11  }
0xbd: {  	s0 =	sor.u32 s1, s0  }
0xbe: {  	s0 =	sadd.s32 $0x8F2B, s0  }
0xbf: {  	[sflag:s0] =	ssyncadd.remote.s32 $0x1  }
0xc0: {  	_ =	sfence.sel $0xFFFF  }
0xc1: {  	[dreg:$0x0] =	wrdreg $0xFFFFFFFF;
	(pc) =	sbr.abs _section_cstart, $3  }
0xc2: {  	[dreg:$0x1] =	wrdreg $0xFFFFFFFF  }
0xc3: {  	_ =	task.clear_ibuf [dreg:s8], $0x2FFFF;
	_ =	strace $0x9FFFFFFF  }
0xc4: {  	(tm) =	ssettm $0x7FFFFFFF  }
0xc5: {  	_ =	shalt  }
tec
execute0_lowered:
.L_overlay_start_1:
0x0: {  	(tag) =	ssettag $0x1  }
0x1: {  	s2 =	srdreg.scid;
	s1 =	rddreg [dreg:$0x0]  }
0x2: {  	s0 =	stileid.u32;
	s3 =	rddreg [dreg:$0x1]  }
0x3: {  	s11 =	rddreg [dreg:$0x2];
	s4 =	simm.s32 $0x0;
	s14 =	simm.s32 $0x8000  }
0x4: {  	s15 =	simm.s32 $0xC000;
	s16 =	simm.s32 $0x1;
	s17 =	simm.s32 $0x2  }
0x5: {  	s18 =	simm.s32 $0x10000;
	s19 =	simm.s32 $0x3;
	s20 =	simm.s32 $0x0  }
0x6: {  	s5 =	sand.u32 $0x1, s2;
	s30 =	sshll.u32 s0, $0x1;
	s2 =	rddreg [dreg:$0x3]  }
0x7: {  	[smem:$0x7FF] =	sst s4;
	s9 =	sor.u32 s5, s30;
	s5 =	ssub.s32 $0x2, s5  }
0x8: {  	_ =	strace $0x80000047;
	s10 =	smul.u32 $0x18000, s9;
	s6 =	sshrl.u32 s5, $0x1  }
.Ltmp0:
0x9: {  	s13 =	sshll.u32 s9, $0x4;
	s12 =	ssub.s32 s5, s6;
	(pc) =	sbr.rel .LBB2_1-.Ltmp0, $4  }
0xa: {  	s11 =	sadd.s32 s11, s13;
	s13 =	simm.s32 $0x4000;
	s7 =	sshrl.u32 s10, $0x3  }
0xb: {  	s9 =	sadd.s32 $0x508000, s10;
	s10 =	sadd.s32 $0x50C000, s10;
	s31 =	sadd.s32 $0xA0000, s7  }
0xc: {  	s12 =	smax.u32 s12, $0x1;
	s8 =	sadd.s32 $0xA0800, s7;
	s5 =	sadd.s32 s1, s31  }
0xd: {  	s6 =	sadd.s32 s3, s31;
	s7 =	sadd.s32 s1, s8;
	s8 =	sadd.s32 s3, s8  }
.LBB2_8:
0xe: {  	v0 =	vadd.f32 v6, v7;
	s20 =	sadd.s32 $0x1, s20  }
0xf: {  	p0 =	sne.s32 s20, s12  }
.Ltmp1:
0x10: {  	[tilespmem:$0x10000] =	vst v0;
	(pc) =	sbr.rel @!p0 .LBB2_9-.Ltmp1, $4  }
0x11: {  	[hbm4b:s11+s4] =	stream.linear.scatter [tilespmem:s18], [sflag:$0x3], $0x80, $0x38;
	[tilespmem:$0x10080] =	vst v63  }
0x12: {  	_ =	swait.ge [sflag:s19], $0x80  }
0x13: {  	[sflag:s19] =	ssyncset.done $0x0  }
0x14: {  	[sflag:s19] =	ssyncadd.s32 $0xFFFFFF80  }
.LBB2_1:
0x15: {  	[tilespmem:s4], [sflag:$0x1] =	stream.linear.gather [hbm4b:s5+s4], $0x4000, $0x38;
	[tilespmem:$0x10080] =	vst v63  }
0x16: {  	_ = 	snop  }
0x17: {  	[tilespmem:s13], [sflag:$0x1] =	stream.linear.gather [hbm4b:s6+s4], $0x4000, $0x38;
	[tilespmem:$0x10080] =	vst v63  }
0x18: {  	_ = 	snop  }
0x19: {  	[tilespmem:s14], [sflag:$0x2] =	stream.linear.gather [hbm4b:s7+s4], $0x4000, $0x38;
	[tilespmem:$0x10080] =	vst v63  }
0x1a: {  	s21 =	simm.s32 $0x0  }
0x1b: {  	v6 =	vimm.f32 $0.0e+00;
	v7 =	vimm.f32 $0.0e+00;
	[tilespmem:s15], [sflag:$0x2] =	stream.linear.gather [hbm4b:s8+s4], $0x4000, $0x38;
	[tilespmem:$0x10080] =	vst v63  }
.LBB2_2:
0x1c: {  	_ =	swait.ge [sflag:s16], $0x4000  }
0x1d: {  	[sflag:s16] =	ssyncset.done $0x0  }
0x1e: {  	[sflag:s16] =	ssyncadd.s32 $0xFFFFC000  }
0x1f: {  	_ =	swait.ge [sflag:s16], $0x4000  }
0x20: {  	[sflag:s16] =	ssyncset.done $0x0  }
0x21: {  	s22 =	simm.s32 $0x0;
	[sflag:s16] =	ssyncadd.s32 $0xFFFFC000  }
0x22: {  	v1 =	vld [tilespmem:s22+$0xF0]  }
0x23: {  	v2 =	vld [tilespmem:s22+$0x40F0]  }
0x24: {  	v3 =	vld [tilespmem:s22+$0xE0]  }
0x25: {  	v4 =	vld [tilespmem:s22+$0x40E0]  }
0x26: {  	v5 =	vld [tilespmem:s22+$0x70]  }
0x27: {  	v8 =	vld [tilespmem:s22+$0x4070]  }
0x28: {  	v9 =	vld [tilespmem:s22+$0xD0]  }
0x29: {  	v10 =	vld [tilespmem:s22+$0x40D0]  }
0x2a: {  	v30 =	vld [tilespmem:s22+$0x60]  }
0x2b: {  	v16 =	vld [tilespmem:s22+$0x4060]  }
0x2c: {  	v20 =	vld [tilespmem:s22+$0xC0]  }
0x2d: {  	v23 =	vld [tilespmem:s22+$0x40C0]  }
0x2e: {  	v15 =	vld [tilespmem:s22+$0x50]  }
0x2f: {  	v19 =	vld [tilespmem:s22+$0x4050]  }
0x30: {  	v25 =	vld [tilespmem:s22+$0xB0]  }
0x31: {  	v27 =	vld [tilespmem:s22+$0x40B0]  }
0x32: {  	v11 =	vld [tilespmem:s22+$0x40]  }
0x33: {  	v12 =	vld [tilespmem:s22+$0x4040]  }
0x34: {  	v18 =	vld [tilespmem:s22+$0xA0]  }
0x35: {  	v21 =	vld [tilespmem:s22+$0x40A0]  }
0x36: {  	v17 =	vld [tilespmem:s22+$0x30]  }
0x37: {  	v14 =	vld [tilespmem:s22+$0x4030]  }
0x38: {  	v22 =	vld [tilespmem:s22+$0x90]  }
0x39: {  	v13 =	vld [tilespmem:s22+$0x4090]  }
0x3a: {  	v24 =	vld [tilespmem:s22+$0x20];
	vm0 =	veq.f32 v2, $0.0e+00;
	v0 =	vsub.f32 v5, v8;
	v1 =	vsub.f32 v1, v2  }
0x3b: {  	v26 =	vld [tilespmem:s22+$0x4020];
	vm1 =	veq.f32 v4, $0.0e+00;
	v2 =	vsub.f32 v30, v16;
	v3 =	vsub.f32 v3, v4  }
0x3c: {  	v28 =	vld [tilespmem:s22+$0x10];
	vm2 =	veq.f32 v10, $0.0e+00;
	v4 =	vmul.f32 $5.000000000e-01, v5;
	v5 =	vmul.f32 $1.500000000e+00, v8  }
0x3d: {  	s23 =	simm.s32 $0x400;
	v29 =	vld [tilespmem:s22+$0x0];
	v8 =	vsub.f32 v15, v19;
	v9 =	vsub.f32 v9, v10;
	v10 =	vmul.f32 $5.000000000e-01, v30  }
.LBB2_3:
0x3e: {  	p0 =	sne.s32 s23, $0xFC00;
	v30 =	vld [tilespmem:s22+$0x4000];
	vm3 =	veq.f32 v23, $0.0e+00;
	v31 =	vsub.f32 v20, v23;
	v32 =	vmul.f32 $1.500000000e+00, v16  }
0x3f: {  	v33 =	vsub.f32 v11, v12;
	v34 =	vmul.f32 $5.000000000e-01, v15;
	v35 =	vmul.f32 $1.500000000e+00, v19;
	v16 =	vld [tilespmem:s22+$0x4010]  }
0x40: {  	vm4 =	veq.f32 v27, $0.0e+00;
	v19 =	vsub.f32 v17, v14;
	v25 =	vsub.f32 v25, v27;
	v15 =	vld [tilespmem:s22+$0x80]  }
0x41: {  	vm5 =	veq.f32 v21, $0.0e+00;
	v11 =	vmul.f32 $5.000000000e-01, v11;
	v12 =	vmul.f32 $1.500000000e+00, v12;
	v20 =	vld [tilespmem:s22+$0x4080];
	s22 =	sshra.s32 s23, $0x2  }
0x42: {  	v18 =	vsub.f32 v18, v21;
	v17 =	vmul.f32 $5.000000000e-01, v17;
	v23 =	vsub.f32 v24, v26;
	v36 =	vld [tilespmem:s22+$0xF0]  }
0x43: {  	v22 =	vsub.f32 v22, v13;
	v21 =	vmul.f32 $5.000000000e-01, v29;
	v37 =	vld [tilespmem:s22+$0x40F0];
	v27 =	vmul.f32 $1.500000000e+00, v30  }
0x44: {  	v14 =	vmul.f32 $1.500000000e+00, v14;
	v29 =	vsub.f32 v29, v30;
	v38 =	vld [tilespmem:s22+$0xE0];
	v30 =	vsub.f32 v28, v16  }
0x45: {  	v16 =	vmul.f32 $1.500000000e+00, v16;
	v39 =	vld [tilespmem:s22+$0x40E0];
	v21 =	vsub.f32 v21, v27;
	v27 =	vmul.f32 $5.000000000e-01, v28  }
0x46: {  	v40 =	vld [tilespmem:s22+$0x70];
	vm6 =	veq.f32 v20, $0.0e+00;
	v15 =	vsub.f32 v15, v20;
	v20 =	vmul.f32 $5.000000000e-01, v24  }
0x47: {  	v24 =	vmul.f32 $1.500000000e+00, v26;
	v41 =	vld [tilespmem:s22+$0x4070];
	v21 =	vsel vm6, v21, v29;
	v16 =	vsub.f32 v27, v16  }
0x48: {  	vm6 =	veq.f32 v13, $0.0e+00;
	v42 =	vld [tilespmem:s22+$0xD0];
	v21 =	vmul.f32 v21, v21;
	v15 =	vmul.f32 v15, v15  }
0x49: {  	v22 =	vmul.f32 v22, v22;
	v20 =	vsub.f32 v20, v24;
	v43 =	vld [tilespmem:s22+$0x40D0];
	v13 =	vsel vm6, v16, v30  }
0x4a: {  	v30 =	vld [tilespmem:s22+$0x60];
	v7 =	vadd.f32 v21, v7;
	v6 =	vadd.f32 v15, v6;
	v13 =	vmul.f32 v13, v13  }
0x4b: {  	v18 =	vmul.f32 v18, v18;
	v14 =	vsub.f32 v17, v14;
	v15 =	vsel vm5, v20, v23;
	v16 =	vld [tilespmem:s22+$0x4060]  }
0x4c: {  	v20 =	vld [tilespmem:s22+$0xC0];
	v7 =	vadd.f32 v13, v7;
	v6 =	vadd.f32 v22, v6;
	v13 =	vmul.f32 v15, v15  }
0x4d: {  	v17 =	vmul.f32 v25, v25;
	v11 =	vsub.f32 v11, v12;
	v14 =	vsel vm4, v14, v19;
	v23 =	vld [tilespmem:s22+$0x40C0]  }
0x4e: {  	v12 =	vmul.f32 v14, v14;
	v15 =	vld [tilespmem:s22+$0x50];
	v7 =	vadd.f32 v13, v7;
	v6 =	vadd.f32 v18, v6  }
0x4f: {  	v11 =	vsel vm3, v11, v33;
	v14 =	vsub.f32 v34, v35;
	v13 =	vmul.f32 v31, v31;
	v19 =	vld [tilespmem:s22+$0x4050]  }
0x50: {  	v25 =	vld [tilespmem:s22+$0xB0];
	v7 =	vadd.f32 v12, v7;
	v6 =	vadd.f32 v17, v6;
	v12 =	vmul.f32 v11, v11  }
0x51: {  	v9 =	vmul.f32 v9, v9;
	v10 =	vsub.f32 v10, v32;
	v8 =	vsel vm2, v14, v8;
	v27 =	vld [tilespmem:s22+$0x40B0]  }
0x52: {  	v8 =	vmul.f32 v8, v8;
	v11 =	vld [tilespmem:s22+$0x40];
	v7 =	vadd.f32 v12, v7;
	v6 =	vadd.f32 v13, v6  }
0x53: {  	v3 =	vmul.f32 v3, v3;
	v4 =	vsub.f32 v4, v5;
	v2 =	vsel vm1, v10, v2;
	v12 =	vld [tilespmem:s22+$0x4040]  }
0x54: {  	v2 =	vmul.f32 v2, v2;
	v18 =	vld [tilespmem:s22+$0xA0];
	v5 =	vadd.f32 v8, v7;
	v6 =	vadd.f32 v9, v6  }
0x55: {  	v1 =	vmul.f32 v1, v1;
	v0 =	vsel vm0, v4, v0;
	v21 =	vld [tilespmem:s22+$0x40A0]  }
0x56: {  	v0 =	vmul.f32 v0, v0;
	v17 =	vld [tilespmem:s22+$0x30];
	v2 =	vadd.f32 v2, v5;
	v3 =	vadd.f32 v3, v6  }
0x57: {  	v14 =	vld [tilespmem:s22+$0x4030]  }
0x58: {  	v22 =	vld [tilespmem:s22+$0x90];
	v7 =	vadd.f32 v0, v2;
	v6 =	vadd.f32 v1, v3  }
.Ltmp2:
0x59: {  	v13 =	vld [tilespmem:s22+$0x4090];
	(pc) =	sbr.rel @p0 .LBB2_3-.Ltmp2, $4  }
0x5a: {  	vm0 =	veq.f32 v37, $0.0e+00;
	v0 =	vsub.f32 v40, v41;
	v1 =	vsub.f32 v36, v37;
	v24 =	vld [tilespmem:s22+$0x20]  }
0x5b: {  	vm1 =	veq.f32 v39, $0.0e+00;
	v2 =	vsub.f32 v30, v16;
	v3 =	vsub.f32 v38, v39;
	v26 =	vld [tilespmem:s22+$0x4020]  }
0x5c: {  	v4 =	vmul.f32 $5.000000000e-01, v40;
	vm2 =	veq.f32 v43, $0.0e+00;
	v5 =	vmul.f32 $1.500000000e+00, v41;
	v28 =	vld [tilespmem:s22+$0x10]  }
0x5d: {  	s23 =	sadd.s32 $0x400, s23;
	v10 =	vmul.f32 $5.000000000e-01, v30;
	v8 =	vsub.f32 v15, v19;
	v9 =	vsub.f32 v42, v43;
	v29 =	vld [tilespmem:s22+$0x0]  }
0x5e: {  	p0 =	seq.s32 s21, $0x2  }
0x5f: {  	v30 =	vld [tilespmem:s22+$0x4000];
	s23 =	sshll.u32 @!p0 s21, $0xF  }
0x60: {  	v31 =	vld [tilespmem:s22+$0x4010];
	s23 =	sadd.s32 @!p0 s23, s9  }
0x61: {  	v32 =	vld [tilespmem:s22+$0x80];
	s23 =	sshrl.u32 @!p0 s23, $0x3  }
0x62: {  	v33 =	vld [tilespmem:s22+$0x4080];
	s24 =	simm.s32 @!p0 $0x0;
	s22 =	sadd.s32 @!p0 s1, s23  }
0x63: {  	[tilespmem:s24], [sflag:$0x1] =	stream.linear.gather @!p0 [hbm4b:s22+s24], $0x4000, $0x38;
	[tilespmem:$0x10080] =	vst v63  }
0x64: {  	s22 =	sadd.s32 @!p0 s3, s23;
	s23 =	simm.s32 @!p0 $0x4000  }
0x65: {  	[tilespmem:s23], [sflag:$0x1] =	stream.linear.gather @!p0 [hbm4b:s22+s24], $0x4000, $0x38;
	[tilespmem:$0x10080] =	vst v63  }
0x66: {  	_ =	swait.ge [sflag:s17], $0x4000  }
0x67: {  	[sflag:s17] =	ssyncset.done $0x0  }
0x68: {  	[sflag:s17] =	ssyncadd.s32 $0xFFFFC000  }
0x69: {  	_ =	swait.ge [sflag:s17], $0x4000  }
0x6a: {  	vm4 =	veq.f32 v27, $0.0e+00;
	v25 =	vsub.f32 v25, v27;
	[sflag:s17] =	ssyncset.done $0x0  }
0x6b: {  	v27 =	vmul.f32 $5.000000000e-01, v29;
	v34 =	vmul.f32 $1.500000000e+00, v30;
	v29 =	vsub.f32 v29, v30;
	s22 =	simm.s32 $0x0;
	[sflag:s17] =	ssyncadd.s32 $0xFFFFC000  }
0x6c: {  	v30 =	vsub.f32 v28, v31;
	v28 =	vmul.f32 $5.000000000e-01, v28;
	v31 =	vmul.f32 $1.500000000e+00, v31;
	v35 =	vld [tilespmem:s22+$0x80F0]  }
0x6d: {  	vm3 =	veq.f32 v23, $0.0e+00;
	v36 =	vmul.f32 $5.000000000e-01, v15;
	v15 =	vsub.f32 v27, v34;
	v61 =	vld [tilespmem:s22+$0xC0F0]  }
0x6e: {  	v20 =	vsub.f32 v20, v23;
	vm5 =	veq.f32 v33, $0.0e+00;
	v28 =	vsub.f32 v28, v31;
	v31 =	vld [tilespmem:s22+$0x80E0]  }
0x6f: {  	v23 =	vmul.f32 $1.500000000e+00, v16;
	vm14 =	veq.f32 v13, $0.0e+00;
	v15 =	vsel vm5, v15, v29;
	v29 =	vld [tilespmem:s22+$0xC0E0]  }
0x70: {  	v16 =	vsub.f32 v11, v12;
	v19 =	vmul.f32 $1.500000000e+00, v19;
	v28 =	vsel vm14, v28, v30;
	v30 =	vld [tilespmem:s22+$0x8070]  }
0x71: {  	vm15 =	veq.f32 v21, $0.0e+00;
	v13 =	vsub.f32 v22, v13;
	v27 =	vsub.f32 v32, v33;
	v63 =	vld [tilespmem:s22+$0xC070]  }
0x72: {  	v62 =	vsub.f32 v24, v26;
	v24 =	vmul.f32 $5.000000000e-01, v24;
	v26 =	vmul.f32 $1.500000000e+00, v26;
	v37 =	vld [tilespmem:s22+$0x80D0]  }
0x73: {  	v18 =	vsub.f32 v18, v21;
	v19 =	vsub.f32 v36, v19;
	v21 =	vmul.f32 v27, v27;
	v38 =	vld [tilespmem:s22+$0xC0D0]  }
0x74: {  	v13 =	vmul.f32 v13, v13;
	v22 =	vsub.f32 v24, v26;
	v24 =	vsub.f32 v17, v14;
	v39 =	vld [tilespmem:s22+$0x8060]  }
0x75: {  	v26 =	vmul.f32 $5.000000000e-01, v11;
	v15 =	vmul.f32 v15, v15;
	v6 =	vadd.f32 v21, v6;
	v11 =	vld [tilespmem:s22+$0xC060]  }
0x76: {  	v14 =	vmul.f32 $1.500000000e+00, v14;
	v21 =	vsel vm15, v22, v62;
	v22 =	vmul.f32 $1.500000000e+00, v12;
	v12 =	vld [tilespmem:s22+$0x80C0]  }
0x77: {  	v7 =	vadd.f32 v15, v7;
	v15 =	vmul.f32 $5.000000000e-01, v17;
	v6 =	vadd.f32 v13, v6;
	v13 =	vld [tilespmem:s22+$0xC0C0]  }
0x78: {  	v18 =	vmul.f32 v18, v18;
	v8 =	vsel vm2, v19, v8;
	v17 =	vmul.f32 v28, v28;
	v19 =	vld [tilespmem:s22+$0x8040]  }
0x79: {  	v14 =	vsub.f32 v15, v14;
	v15 =	vmul.f32 v21, v21;
	v21 =	vmul.f32 v25, v25;
	v25 =	vld [tilespmem:s22+$0xC0A0]  }
0x7a: {  	v22 =	vsub.f32 v26, v22;
	v7 =	vadd.f32 v17, v7;
	v26 =	vld [tilespmem:s22+$0x8030]  }
0x7b: {  	v3 =	vmul.f32 v3, v3;
	v27 =	vld [tilespmem:s22+$0x8090];
	v6 =	vadd.f32 v18, v6;
	v17 =	vsel vm4, v14, v24  }
0x7c: {  	v10 =	vsub.f32 v10, v23;
	v23 =	vld [tilespmem:s22+$0xC020];
	v7 =	vadd.f32 v15, v7;
	v17 =	vmul.f32 v17, v17  }
0x7d: {  	v20 =	vmul.f32 v20, v20;
	v18 =	vsel vm3, v22, v16;
	v14 =	vld [tilespmem:s22+$0x8050];
	v6 =	vadd.f32 v21, v6  }
0x7e: {  	v4 =	vsub.f32 v4, v5;
	v15 =	vld [tilespmem:s22+$0xC050];
	v7 =	vadd.f32 v17, v7;
	v17 =	vmul.f32 v18, v18  }
0x7f: {  	v1 =	vmul.f32 v1, v1;
	v9 =	vmul.f32 v9, v9;
	v28 =	vld [tilespmem:s22+$0x8010];
	v6 =	vadd.f32 v20, v6  }
0x80: {  	v0 =	vsel vm0, v4, v0;
	v8 =	vmul.f32 v8, v8;
	v16 =	vld [tilespmem:s22+$0x80B0];
	v7 =	vadd.f32 v17, v7  }
0x81: {  	v0 =	vmul.f32 v0, v0;
	v2 =	vsel vm1, v10, v2;
	v22 =	vld [tilespmem:s22+$0x8020];
	v6 =	vadd.f32 v9, v6  }
0x82: {  	v2 =	vmul.f32 v2, v2;
	v24 =	vld [tilespmem:s22+$0xC030];
	vm0 =	veq.f32 v61, $0.0e+00;
	v5 =	vadd.f32 v8, v7  }
0x83: {  	v21 =	vld [tilespmem:s22+$0x80A0];
	vm1 =	veq.f32 v29, $0.0e+00;
	v3 =	vadd.f32 v3, v6;
	v6 =	vsub.f32 v14, v15  }
0x84: {  	v20 =	vld [tilespmem:s22+$0xC040];
	vm2 =	veq.f32 v38, $0.0e+00;
	v7 =	vsub.f32 v37, v38;
	v2 =	vadd.f32 v2, v5  }
0x85: {  	v18 =	vld [tilespmem:s22+$0xC0B0];
	v4 =	vmul.f32 $5.000000000e-01, v30;
	v10 =	vadd.f32 v1, v3;
	v1 =	vsub.f32 v35, v61  }
0x86: {  	v17 =	vld [tilespmem:s22+$0xC090];
	v8 =	vmul.f32 $5.000000000e-01, v39;
	v3 =	vsub.f32 v31, v29;
	v9 =	vadd.f32 v0, v2  }
0x87: {  	s23 =	simm.s32 $0x400;
	v5 =	vmul.f32 $1.500000000e+00, v63;
	v29 =	vld [tilespmem:s22+$0x8000];
	v0 =	vsub.f32 v30, v63;
	v2 =	vsub.f32 v39, v11  }
.LBB2_5:
0x88: {  	p1 =	sne.s32 s23, $0xFC00;
	v30 =	vld [tilespmem:s22+$0xC000];
	vm3 =	veq.f32 v13, $0.0e+00;
	v31 =	vsub.f32 v12, v13;
	v32 =	vmul.f32 $1.500000000e+00, v11  }
0x89: {  	v33 =	vsub.f32 v19, v20;
	v34 =	vmul.f32 $5.000000000e-01, v14;
	v35 =	vmul.f32 $1.500000000e+00, v15;
	v11 =	vld [tilespmem:s22+$0xC010]  }
0x8a: {  	vm4 =	veq.f32 v18, $0.0e+00;
	v14 =	vsub.f32 v26, v24;
	v15 =	vsub.f32 v16, v18;
	v12 =	vld [tilespmem:s22+$0x8080]  }
0x8b: {  	vm5 =	veq.f32 v25, $0.0e+00;
	v16 =	vmul.f32 $5.000000000e-01, v19;
	v18 =	vmul.f32 $1.500000000e+00, v20;
	v13 =	vld [tilespmem:s22+$0xC080];
	s22 =	sshra.s32 s23, $0x2  }
0x8c: {  	v20 =	vsub.f32 v21, v25;
	v21 =	vmul.f32 $5.000000000e-01, v26;
	v19 =	vsub.f32 v22, v23;
	v36 =	vld [tilespmem:s22+$0x80F0]  }
0x8d: {  	v27 =	vsub.f32 v27, v17;
	v25 =	vmul.f32 $5.000000000e-01, v29;
	v37 =	vld [tilespmem:s22+$0xC0F0];
	v26 =	vmul.f32 $1.500000000e+00, v30  }
0x8e: {  	v24 =	vmul.f32 $1.500000000e+00, v24;
	v29 =	vsub.f32 v29, v30;
	v38 =	vld [tilespmem:s22+$0x80E0];
	v30 =	vsub.f32 v28, v11  }
0x8f: {  	v11 =	vmul.f32 $1.500000000e+00, v11;
	v39 =	vld [tilespmem:s22+$0xC0E0];
	v25 =	vsub.f32 v25, v26;
	v26 =	vmul.f32 $5.000000000e-01, v28  }
0x90: {  	v40 =	vld [tilespmem:s22+$0x8070];
	vm6 =	veq.f32 v13, $0.0e+00;
	v12 =	vsub.f32 v12, v13;
	v13 =	vmul.f32 $5.000000000e-01, v22  }
0x91: {  	v23 =	vmul.f32 $1.500000000e+00, v23;
	v41 =	vld [tilespmem:s22+$0xC070];
	v22 =	vsel vm6, v25, v29;
	v11 =	vsub.f32 v26, v11  }
0x92: {  	vm6 =	veq.f32 v17, $0.0e+00;
	v42 =	vld [tilespmem:s22+$0x80D0];
	v22 =	vmul.f32 v22, v22;
	v12 =	vmul.f32 v12, v12  }
0x93: {  	v17 =	vmul.f32 v27, v27;
	v13 =	vsub.f32 v13, v23;
	v43 =	vld [tilespmem:s22+$0xC0D0];
	v11 =	vsel vm6, v11, v30  }
0x94: {  	v30 =	vld [tilespmem:s22+$0x8060];
	v9 =	vadd.f32 v22, v9;
	v10 =	vadd.f32 v12, v10;
	v22 =	vmul.f32 v11, v11  }
0x95: {  	v13 =	vsel vm5, v13, v19;
	v19 =	vmul.f32 v20, v20;
	v20 =	vsub.f32 v21, v24;
	v11 =	vld [tilespmem:s22+$0xC060]  }
0x96: {  	v12 =	vld [tilespmem:s22+$0x80C0];
	v9 =	vadd.f32 v22, v9;
	v10 =	vadd.f32 v17, v10;
	v17 =	vmul.f32 v13, v13  }
0x97: {  	v16 =	vsub.f32 v16, v18;
	v21 =	vmul.f32 v15, v15;
	v20 =	vsel vm4, v20, v14;
	v13 =	vld [tilespmem:s22+$0xC0C0]  }
0x98: {  	v14 =	vld [tilespmem:s22+$0x8050];
	v9 =	vadd.f32 v17, v9;
	v10 =	vadd.f32 v19, v10;
	v17 =	vmul.f32 v20, v20  }
0x99: {  	v18 =	vsel vm3, v16, v33;
	v20 =	vmul.f32 v31, v31;
	v19 =	vsub.f32 v34, v35;
	v15 =	vld [tilespmem:s22+$0xC050]  }
0x9a: {  	v16 =	vld [tilespmem:s22+$0x80B0];
	v9 =	vadd.f32 v17, v9;
	v10 =	vadd.f32 v21, v10;
	v17 =	vmul.f32 v18, v18  }
0x9b: {  	v7 =	vmul.f32 v7, v7;
	v8 =	vsub.f32 v8, v32;
	v6 =	vsel vm2, v19, v6;
	v18 =	vld [tilespmem:s22+$0xC0B0]  }
0x9c: {  	v6 =	vmul.f32 v6, v6;
	v19 =	vld [tilespmem:s22+$0x8040];
	v9 =	vadd.f32 v17, v9;
	v10 =	vadd.f32 v20, v10  }
0x9d: {  	v3 =	vmul.f32 v3, v3;
	v4 =	vsub.f32 v4, v5;
	v2 =	vsel vm1, v8, v2;
	v20 =	vld [tilespmem:s22+$0xC040]  }
0x9e: {  	v2 =	vmul.f32 v2, v2;
	v21 =	vld [tilespmem:s22+$0x80A0];
	v5 =	vadd.f32 v6, v9;
	v6 =	vadd.f32 v7, v10  }
0x9f: {  	v1 =	vmul.f32 v1, v1;
	v0 =	vsel vm0, v4, v0;
	v25 =	vld [tilespmem:s22+$0xC0A0]  }
0xa0: {  	v0 =	vmul.f32 v0, v0;
	v26 =	vld [tilespmem:s22+$0x8030];
	v2 =	vadd.f32 v2, v5;
	v3 =	vadd.f32 v3, v6  }
0xa1: {  	v24 =	vld [tilespmem:s22+$0xC030]  }
0xa2: {  	v27 =	vld [tilespmem:s22+$0x8090];
	v9 =	vadd.f32 v0, v2;
	v10 =	vadd.f32 v1, v3  }
.Ltmp3:
0xa3: {  	v17 =	vld [tilespmem:s22+$0xC090];
	(pc) =	sbr.rel @p1 .LBB2_5-.Ltmp3, $4  }
0xa4: {  	vm0 =	veq.f32 v37, $0.0e+00;
	v0 =	vsub.f32 v40, v41;
	v1 =	vsub.f32 v36, v37;
	v22 =	vld [tilespmem:s22+$0x8020]  }
0xa5: {  	vm1 =	veq.f32 v39, $0.0e+00;
	v2 =	vsub.f32 v30, v11;
	v3 =	vsub.f32 v38, v39;
	v23 =	vld [tilespmem:s22+$0xC020]  }
0xa6: {  	v4 =	vmul.f32 $5.000000000e-01, v40;
	vm2 =	veq.f32 v43, $0.0e+00;
	v5 =	vmul.f32 $1.500000000e+00, v41;
	v28 =	vld [tilespmem:s22+$0x8010]  }
0xa7: {  	s23 =	sadd.s32 $0x400, s23;
	v8 =	vmul.f32 $5.000000000e-01, v30;
	v7 =	vsub.f32 v42, v43;
	v6 =	vsub.f32 v14, v15;
	v29 =	vld [tilespmem:s22+$0x8000]  }
0xa8: {  	v30 =	vld [tilespmem:s22+$0xC000];
	vm3 =	veq.f32 v13, $0.0e+00;
	v12 =	vsub.f32 v12, v13;
	v11 =	vmul.f32 $1.500000000e+00, v11  }
0xa9: {  	v43 =	vld [tilespmem:s22+$0xC010];
	v31 =	vsub.f32 v19, v20;
	v14 =	vmul.f32 $5.000000000e-01, v14;
	v15 =	vmul.f32 $1.500000000e+00, v15  }
0xaa: {  	v32 =	vld [tilespmem:s22+$0x8080];
	vm4 =	veq.f32 v18, $0.0e+00;
	v33 =	vsub.f32 v26, v24;
	v16 =	vsub.f32 v16, v18  }
0xab: {  	v44 =	vld [tilespmem:s22+$0xC080];
	vm5 =	veq.f32 v25, $0.0e+00;
	v45 =	vmul.f32 $5.000000000e-01, v19;
	v46 =	vmul.f32 $1.500000000e+00, v20  }
0xac: {  	v21 =	vsub.f32 v21, v25;
	v47 =	vmul.f32 $5.000000000e-01, v26;
	v51 =	vmul.f32 $1.500000000e+00, v24  }
0xad: {  	v27 =	vsub.f32 v27, v17;
	v48 =	vmul.f32 $5.000000000e-01, v29;
	v35 =	vmul.f32 $1.500000000e+00, v30  }
0xae: {  	vm15 =	veq.f32 v17, $0.0e+00;
	v53 =	vmul.f32 $5.000000000e-01, v22;
	v52 =	vmul.f32 $5.000000000e-01, v28  }
0xaf: {  	v49 =	vsub.f32 v29, v30;
	v13 =	vmul.f32 $1.500000000e+00, v43;
	v26 =	vsub.f32 v48, v35  }
0xb0: {  	v54 =	vmul.f32 $1.500000000e+00, v23;
	vm6 =	veq.f32 v44, $0.0e+00;
	v18 =	vsub.f32 v32, v44  }
0xb1: {  	v50 =	vsub.f32 v28, v43;
	v13 =	vsub.f32 v52, v13;
	v26 =	vsel vm6, v26, v49  }
0xb2: {  	v34 =	vsub.f32 v22, v23;
	v18 =	vmul.f32 v18, v18;
	v26 =	vmul.f32 v26, v26  }
0xb3: {  	v55 =	vmul.f32 v27, v27;
	v22 =	vsub.f32 v53, v54;
	v13 =	vsel vm15, v13, v50  }
0xb4: {  	v10 =	vadd.f32 v18, v10;
	v13 =	vmul.f32 v13, v13;
	v9 =	vadd.f32 v26, v9  }
0xb5: {  	v21 =	vmul.f32 v21, v21;
	v57 =	vsub.f32 v47, v51;
	v56 =	vsel vm5, v22, v34  }
0xb6: {  	v58 =	vmul.f32 v56, v56;
	v10 =	vadd.f32 v55, v10;
	v9 =	vadd.f32 v13, v9  }
0xb7: {  	v16 =	vmul.f32 v16, v16;
	v60 =	vsub.f32 v45, v46;
	v59 =	vsel vm4, v57, v33  }
0xb8: {  	v61 =	vmul.f32 v59, v59;
	v10 =	vadd.f32 v21, v10;
	v9 =	vadd.f32 v58, v9  }
0xb9: {  	v12 =	vmul.f32 v12, v12;
	v14 =	vsub.f32 v14, v15;
	v62 =	vsel vm3, v60, v31  }
0xba: {  	v63 =	vmul.f32 v62, v62;
	v10 =	vadd.f32 v16, v10;
	v9 =	vadd.f32 v61, v9  }
0xbb: {  	v7 =	vmul.f32 v7, v7;
	v8 =	vsub.f32 v8, v11;
	v6 =	vsel vm2, v14, v6  }
0xbc: {  	v6 =	vmul.f32 v6, v6;
	v10 =	vadd.f32 v12, v10;
	v9 =	vadd.f32 v63, v9  }
0xbd: {  	v3 =	vmul.f32 v3, v3;
	v4 =	vsub.f32 v4, v5;
	v2 =	vsel vm1, v8, v2  }
0xbe: {  	v2 =	vmul.f32 v2, v2;
	v5 =	vadd.f32 v6, v9;
	v6 =	vadd.f32 v7, v10  }
.Ltmp4:
0xbf: {  	v1 =	vmul.f32 v1, v1;
	v0 =	vsel vm0, v4, v0;
	(pc) =	sbr.rel @p0 .LBB2_8-.Ltmp4, $2  }
0xc0: {  	v0 =	vmul.f32 v0, v0;
	v2 =	vadd.f32 v2, v5;
	v3 =	vadd.f32 v3, v6;
	_ =	sdelay $0x1  }
0xc1: {  	v7 =	vadd.f32 v0, v2;
	v6 =	vadd.f32 v1, v3;
	_ =	sdelay $0x1  }
0xc2: {  	s22 =	sshll.u32 s21, $0xF  }
0xc3: {  	s22 =	sadd.s32 s22, s10  }
.Ltmp5:
0xc4: {  	s22 =	sshrl.u32 s22, $0x3;
	(pc) =	sbr.rel .LBB2_2-.Ltmp5, $4  }
0xc5: {  	s23 =	sadd.s32 s1, s22  }
0xc6: {  	[tilespmem:s14], [sflag:$0x2] =	stream.linear.gather [hbm4b:s23+s4], $0x4000, $0x38;
	[tilespmem:$0x10080] =	vst v63  }
0xc7: {  	s21 =	sadd.s32 $0x1, s21;
	s22 =	sadd.s32 s3, s22  }
0xc8: {  	[tilespmem:s15], [sflag:$0x2] =	stream.linear.gather [hbm4b:s22+s4], $0x4000, $0x38;
	[tilespmem:$0x10080] =	vst v63  }
.LBB2_9:
0xc9: {  	_ =	sfence.sel $0x180000  }
0xca: {  	[bflag:$0x0] =	sbarrier.arrive $0xFFFF  }
0xcb: {  	p0 =	sne.s32 s0, $0x0;
	_ =	strace $0x90000047  }
0xcc: {  	s0 =	sadd.s32 @!p0 $0x100000, s2;
	[bflag:$0x2] =	sbarrier.arrive $0xFFFF  }
0xcd: {  	[sflag:s0] =	ssyncadd.tile.s32 @!p0 $0x1;
	_ =	shalt  }
.Lfunc_end2:
_tile_overlayer_lowered:
.L_overlay_start_2:
0xce: {  	(tag) =	ssettag $0x2  }
0xcf: {  	s0 =	rddreg [dreg:$0x0];
	s2 =	stileid.u32  }
0xd0: {  	s1 =	rddreg [dreg:$0x1];
	p0 =	sne.s32 s2, $0x0  }
0xd1: {  	s3 =	rddreg [dreg:$0x2];
	[bflag:$0x3] =	sbarrier.arrive $0xFFFF;
	s2 =	simm.s32 @!p0 $0x1C03  }
0xd2: {  	[timem:s3], [sflag:s2] =	dma.local @!p0 [hbm:s0], s1  }
0xd3: {  	s0 =	simm.s32 @!p0 $0x3  }
0xd4: {  	_ =	swait.ge @!p0 [sflag:s0], s1  }
0xd5: {  	s1 =	ssub.s32 @!p0 $0x0, s1;
	[sflag:s0] =	ssyncset.done @!p0 $0x0  }
0xd6: {  	[sflag:s0] =	ssyncadd.s32 @!p0 s1  }
0xd7: {  	[bflag:$0x3] =	sbarrier.arrive $0xFFFF  }
0xd8: {  	_ =	shalt  }

</sc_bundles>
